<compile_context>
chip_gen: v7x
topology: tpu7x:2x2x1
jax: 0.10.2.dev20260603
libtpu: 0.0.44.dev20260713+nightly
codegen_flags: <defaults>
</compile_context>

<pallas_src>
import jax
import jax.numpy as jnp
import numpy as np
from jax import lax
from jax.experimental import pallas as pl
from jax.experimental.pallas import tpu as pltpu
from jax.experimental.pallas import tpu_sc as plsc

CONF_T = 0.2
IOU_T = 0.7
MAX_DET = 100
STRIDES = (8, 16, 32)
IMG_H, IMG_W = 512, 512
NUM_CLASSES = 80
N = sum((IMG_H // s) * (IMG_W // s) for s in STRIDES)
LANES = 16
NCHUNK = N // LANES
QUARTER = N // 4
QCHUNK = QUARTER // LANES
NEG_INF = float("-inf")
BIGC = 1.0e30
T2 = IOU_T / (1.0 + IOU_T)


def _anchor_meta():
    ax_l, ay_l, st_l = [], [], []
    for s in STRIDES:
        hh = np.arange(0, IMG_H, s, dtype=np.float32)
        ww = np.arange(0, IMG_W, s, dtype=np.float32)
        ww_g, hh_g = np.meshgrid(ww, hh)
        ay = (hh_g.reshape(-1) + 0.5 * s) / s
        ax = (ww_g.reshape(-1) + 0.5 * s) / s
        ax_l.append(ax)
        ay_l.append(ay)
        st_l.append(np.full(ax.shape, s, dtype=np.float32))
    meta = np.zeros((8, N), dtype=np.float32)
    meta[0] = np.concatenate(ax_l)
    meta[1] = np.concatenate(ay_l)
    meta[2] = np.concatenate(st_l)
    return jnp.asarray(meta)


def _decode_body(boxes_ref, classes_ref, meta_ref, x1_ref, y1_ref, x2_ref,
                 y2_ref, ar_ref, wk_ref):
    x = boxes_ref[0]
    db = []
    kcol = lax.broadcasted_iota(jnp.int32, (16, 1), 0).astype(jnp.float32)
    for s in range(4):
        xs = x[16 * s:16 * s + 16, :]
        m = jnp.max(xs, axis=0, keepdims=True)
        e = jnp.exp(xs - m)
        den = jnp.sum(e, axis=0, keepdims=True)
        num = jnp.sum(e * kcol, axis=0, keepdims=True)
        db.append(num / den)
    ax = meta_ref[0:1, :]
    ay = meta_ref[1:2, :]
    st = meta_ref[2:3, :]
    x1 = (ax - db[0]) * st
    y1 = (ay - db[1]) * st
    x2 = (ax + db[2]) * st
    y2 = (ay + db[3]) * st
    x1_ref[0] = x1
    y1_ref[0] = y1
    x2_ref[0] = x2
    y2_ref[0] = y2
    ar_ref[0] = jnp.maximum(x2 - x1, 0.0) * jnp.maximum(y2 - y1, 0.0)
    conf = jnp.max(classes_ref[0], axis=0, keepdims=True)
    wk_ref[0] = jnp.where(conf > CONF_T, conf, NEG_INF)


def _decode(boxes_t, classes_t, meta, batch):
    row = jax.ShapeDtypeStruct((batch, 1, N), jnp.float32)
    return pl.pallas_call(
        _decode_body,
        grid=(batch,),
        in_specs=[
            pl.BlockSpec((1, 64, N), lambda b: (b, 0, 0)),
            pl.BlockSpec((1, NUM_CLASSES, N), lambda b: (b, 0, 0)),
            pl.BlockSpec((8, N), lambda b: (0, 0)),
        ],
        out_specs=[pl.BlockSpec((1, 1, N), lambda b: (b, 0, 0))] * 6,
        out_shape=[row] * 6,
    )(boxes_t, classes_t, meta)


def _nms_body(x1h, y1h, x2h, y2h, arh, wkh, dsh, outh,
              x1v, y1v, x2v, y2v, arv, wkv, d0v, d1v, d2v, d3v, outv,
              t2v, smv):
    sub = lax.axis_index("s")
    core = lax.axis_index("c")
    b = core * 4 + sub // 4
    q = sub % 4
    qbase = q * QUARTER
    g0 = (sub // 4) * 4

    pltpu.sync_copy(x1h.at[b, 0], x1v)
    pltpu.sync_copy(y1h.at[b, 0], y1v)
    pltpu.sync_copy(x2h.at[b, 0], x2v)
    pltpu.sync_copy(y2h.at[b, 0], y2v)
    pltpu.sync_copy(arh.at[b, 0], arv)
    pltpu.sync_copy(wkh.at[b, 0], wkv)

    @pl.when(q == 0)
    def _():
        pltpu.sync_copy(dsh.at[b, 0], d0v)
        pltpu.sync_copy(dsh.at[b, 1], d1v)
        pltpu.sync_copy(dsh.at[b, 2], d2v)
        pltpu.sync_copy(dsh.at[b, 3], d3v)

    lane = lax.iota(jnp.int32, 16)
    ninf = jnp.full((16,), NEG_INF, jnp.float32)
    zeroi = jnp.zeros((16,), jnp.int32)

    def init_chunk(c, carry):
        best, bidx = carry
        v = wkv[pl.ds(qbase + c * 16, 16)]
        gidx = lane + (qbase + c * 16)
        upd = v > best
        return jnp.where(upd, v, best), jnp.where(upd, gidx, bidx)

    best, bidx = lax.fori_loop(0, QCHUNK, init_chunk, (ninf, zeroi))

    def t2_chunk(c, carry):
        sl = pl.ds(qbase + c * 16, 16)
        t2v[sl] = arv[sl] * T2
        return carry

    lax.fori_loop(0, QCHUNK, t2_chunk, 0)

    def allmax_f(v):
        for k in (8, 4, 2, 1):
            v = jnp.maximum(v, v.at[lane ^ k].get(mode="promise_in_bounds"))
        return v

    def allmin_i(v):
        for k in (8, 4, 2, 1):
            v = jnp.minimum(v, v.at[lane ^ k].get(mode="promise_in_bounds"))
        return v

    def det_step(d, carry):
        best, bidx = carry
        mloc = allmax_f(best)
        iloc = allmin_i(jnp.where(best == mloc, bidx, jnp.int32(0x7FFFFFFF)))
        kb = plsc.bitcast(mloc, jnp.int32)[0]
        il = iloc[0]
        sbase = 2 * (d & 1)
        smv[sbase] = kb
        smv[sbase + 1] = il
        plsc.subcore_barrier()
        kv = jnp.full((16,),
                      plsc.fetch_and_add(smv.at[sbase], 0, subcore_id=g0),
                      jnp.int32)
        for r in (1, 2, 3):
            kr = plsc.fetch_and_add(smv.at[sbase], 0, subcore_id=g0 + r)
            kv = jnp.where(lane == r, jnp.full((16,), kr, jnp.int32), kv)
        bb = plsc.bitcast(kv, jnp.float32)
        m = allmax_f(bb)
        rwin = allmin_i(jnp.where(bb == m, lane, jnp.int32(0x7FFFFFFF)))[0]
        iwin = plsc.fetch_and_add(smv.at[sbase + 1], 0, subcore_id=g0 + rwin)
        isp = jnp.full((16,), iwin, jnp.int32)
        vsp = m > NEG_INF
        x1g = plsc.load_gather(x1v, [isp])
        y1g = plsc.load_gather(y1v, [isp])
        x2g = plsc.load_gather(x2v, [isp])
        y2g = plsc.load_gather(y2v, [isp])
        arg_ = plsc.load_gather(arv, [isp])
        x1s = jnp.where(vsp, x1g, BIGC)
        y1s = jnp.where(vsp, y1g, BIGC)
        x2s = jnp.where(vsp, x2g, -BIGC)
        y2s = jnp.where(vsp, y2g, -BIGC)
        t2sel = jnp.where(vsp, arg_, 0.0) * T2
        plsc.store_scatter(wkv, [isp], ninf)

        unroll = 6
        step = 16 * unroll

        def sweep_chunk(c, carry2):
            b2, bi2 = carry2
            base = c * step
            for u in range(unroll):
                off = qbase + base + u * 16
                sl = pl.ds(off, 16)
                iw = jnp.maximum(
                    jnp.minimum(x2s, x2v[sl]) - jnp.maximum(x1s, x1v[sl]),
                    0.0)
                ih = jnp.maximum(
                    jnp.minimum(y2s, y2v[sl]) - jnp.maximum(y1s, y1v[sl]),
                    0.0)
                inter = iw * ih
                kill = inter > t2sel + t2v[sl]
                wc = jnp.where(kill, NEG_INF, wkv[sl])
                wkv[sl] = wc
                gidx = lane + off
                upd = wc > b2
                b2 = jnp.where(upd, wc, b2)
                bi2 = jnp.where(upd, gidx, bi2)
            return b2, bi2

        best2, bidx2 = lax.fori_loop(0, QCHUNK // unroll, sweep_chunk,
                                     (ninf, zeroi))

        @pl.when(q == 0)
        def _():
            d0s = plsc.load_gather(d0v, [isp])
            d1s = plsc.load_gather(d1v, [isp])
            d2s = plsc.load_gather(d2v, [isp])
            d3s = plsc.load_gather(d3v, [isp])
            row = jnp.zeros((16,), jnp.float32)
            vals = (x1g, y1g, x2g, y2g, m, d0s, d1s, d2s, d3s)
            for j, vv in enumerate(vals):
                row = jnp.where(lane == j, vv, row)
            row = jnp.where(vsp, row, 0.0)
            plsc.store_scatter(outv, [jnp.full((16,), d, jnp.int32), lane],
                               row)

        return best2, bidx2

    lax.fori_loop(0, MAX_DET, det_step, (best, bidx))

    @pl.when(q == 0)
    def _():
        pltpu.sync_copy(outv, outh.at[b])


def _nms(rows, dist_t, batch):
    mesh = plsc.VectorSubcoreMesh(core_axis_name="c", subcore_axis_name="s")
    vec = pltpu.VMEM((N,), jnp.float32)
    f = pl.kernel(
        _nms_body,
        out_type=jax.ShapeDtypeStruct((batch, 112, 16), jnp.float32),
        mesh=mesh,
        compiler_params=pltpu.CompilerParams(needs_layout_passes=False),
        scratch_types=[vec] * 10 + [
            pltpu.VMEM((112, 16), jnp.float32),
            vec,
            pltpu.SMEM((8,), jnp.int32),
        ],
    )
    return f(*rows, dist_t)


def kernel(boxes, classes, distances, images):
    del images
    batch = boxes.shape[0]
    meta = _anchor_meta()
    boxes_t = jnp.transpose(boxes, (0, 2, 1))
    classes_t = jnp.transpose(classes, (0, 2, 1))
    dist_t = jnp.transpose(distances, (0, 2, 1))
    rows = _decode(boxes_t, classes_t, meta, batch)
    out = _nms(rows, dist_t, batch)
    return out[:, :MAX_DET, :9]

# --- scband reference (transcript-rebuilt; emitter-appended) ---
"""Pipeline reference for scband-prediction-decoder-77532749628078 (READ-ONLY COPY).

The authoritative reference and input builder live on the scoring server;
editing this copy changes nothing except your own understanding.
"""

import jax, jax.numpy as jnp
import numpy as np

CONF_T = 0.2
IOU_T = 0.7
MAX_DET = 100
STRIDES = (8, 16, 32)
IMG_H, IMG_W = 512, 512
B = 8
NUM_CLASSES = 80


def get_anchors(image_shape, strides=STRIDES, base_anchors=(0.5, 0.5)):
    base = jnp.array(base_anchors, dtype=jnp.float32)
    all_anchors = []
    all_strides = []
    for stride in strides:
        hh = jnp.arange(0, image_shape[0], stride)
        ww = jnp.arange(0, image_shape[1], stride)
        ww_grid, hh_grid = jnp.meshgrid(ww, hh)
        grid = jnp.stack([hh_grid, ww_grid], axis=2).reshape(-1, 1, 2).astype(jnp.float32)
        anchors = (base * jnp.array([stride, stride], jnp.float32))[None] + grid
        anchors = anchors.reshape(-1, 2)
        all_anchors.append(anchors)
        all_strides.append(jnp.full((anchors.shape[0],), stride, dtype=jnp.float32))
    a = jnp.concatenate(all_anchors, axis=0)
    s = jnp.concatenate(all_strides, axis=0)
    a = a / s[:, None]
    a = jnp.concatenate([a[:, 1:2], a[:, 0:1]], axis=-1)
    return a, s


def dist2bbox(distance, anchor_points):
    lt = distance[..., :2]
    rb = distance[..., 2:]
    return jnp.concatenate([anchor_points - lt, anchor_points + rb], axis=-1)


def box_iou_one_vs_many(box, boxes):
    x1 = jnp.maximum(box[0], boxes[:, 0])
    y1 = jnp.maximum(box[1], boxes[:, 1])
    x2 = jnp.minimum(box[2], boxes[:, 2])
    y2 = jnp.minimum(box[3], boxes[:, 3])
    inter = jnp.clip(x2 - x1, 0.0) * jnp.clip(y2 - y1, 0.0)
    a1 = jnp.clip(box[2] - box[0], 0.0) * jnp.clip(box[3] - box[1], 0.0)
    a2 = jnp.clip(boxes[:, 2] - boxes[:, 0], 0.0) * jnp.clip(boxes[:, 3] - boxes[:, 1], 0.0)
    return inter / (a1 + a2 - inter + 1e-9)


def nms_single(boxes, conf):
    # confidence threshold then greedy class-agnostic NMS, fixed MAX_DET output
    work = jnp.where(conf > CONF_T, conf, -jnp.inf)
    boxes_c = jax.lax.stop_gradient(boxes)
    idxs = []
    valids = []
    for _ in range(MAX_DET):
        i = jnp.argmax(work)
        v = work[i] > -jnp.inf
        ious = box_iou_one_vs_many(boxes_c[i], boxes_c)
        sup = (ious > IOU_T) & v
        work = jnp.where(sup, -jnp.inf, work)
        work = work.at[i].set(-jnp.inf)
        idxs.append(i)
        valids.append(v)
    return jnp.stack(idxs), jnp.stack(valids)


def forward(boxes, classes, distances, images):
    b = boxes.shape[0]
    # DFL decode: reshape to (B, N, 4, 16), softmax, expectation over bins
    db = boxes.reshape(b, -1, 4, 16)
    db = jax.nn.softmax(db, axis=-1) * jnp.arange(16, dtype=jnp.float32)
    db = jnp.sum(db, axis=-1)
    anchor_points, stride_tensor = get_anchors(images.shape[1:3])
    box_preds = dist2bbox(db, anchor_points) * stride_tensor[:, None]
    conf = jnp.max(classes, axis=-1)
    outs = []
    for bi in range(b):
        idx, valid = nms_single(box_preds[bi], conf[bi])
        vf = valid.astype(jnp.float32)
        sb = box_preds[bi][idx] * vf[:, None]
        ss = conf[bi][idx] * vf
        sd = distances[bi][idx] * vf[:, None]
        outs.append(jnp.concatenate([sb, ss[:, None], sd], axis=-1))
    return jnp.stack(outs, axis=0)  # [B, MAX_DET, 9] = boxes(4) | score(1) | distances(4)


def setup_inputs(seed: int = 0):
    key = jax.random.key(seed)
    k1, k2, k3, k4 = jax.random.split(key, 4)
    n_anchors = sum((IMG_H // s) * (IMG_W // s) for s in STRIDES)  # 5376
    boxes = jax.random.normal(k1, (B, n_anchors, 64), dtype=jnp.float32)
    classes = jax.random.normal(k2, (B, n_anchors, NUM_CLASSES), dtype=jnp.float32)
    distances = jax.random.normal(k3, (B, n_anchors, 4), dtype=jnp.float32)
    images = jax.random.uniform(k4, (B, IMG_H, IMG_W, 3), dtype=jnp.float32)
    return {"boxes": boxes, "classes": classes, "distances": distances, "images": images}


def reference(boxes, classes, distances, images):
    return forward(boxes, classes, distances, images)

if __name__ == "__main__":
    import jax
    _d = setup_inputs()
    print(jax.jit(kernel)(*tuple(_d.values())))

</pallas_src>

<mosaic_0001>
#map = affine_map<(d0, d1) -> (0, 0, 0)>
module attributes {stable_mosaic.version = 14 : i64} {
  func.func @_nms_body(%arg0: i32, %arg1: i32, %arg2: memref<8x1x5376xf32, #tpu.memory_space<hbm>>, %arg3: memref<8x1x5376xf32, #tpu.memory_space<hbm>>, %arg4: memref<8x1x5376xf32, #tpu.memory_space<hbm>>, %arg5: memref<8x1x5376xf32, #tpu.memory_space<hbm>>, %arg6: memref<8x1x5376xf32, #tpu.memory_space<hbm>>, %arg7: memref<8x1x5376xf32, #tpu.memory_space<hbm>>, %arg8: memref<8x4x5376xf32, #tpu.memory_space<hbm>>, %arg9: memref<8x112x16xf32, #tpu.memory_space<hbm>>, %arg10: memref<5376xf32, #tpu.memory_space<vmem>>, %arg11: memref<5376xf32, #tpu.memory_space<vmem>>, %arg12: memref<5376xf32, #tpu.memory_space<vmem>>, %arg13: memref<5376xf32, #tpu.memory_space<vmem>>, %arg14: memref<5376xf32, #tpu.memory_space<vmem>>, %arg15: memref<5376xf32, #tpu.memory_space<vmem>>, %arg16: memref<5376xf32, #tpu.memory_space<vmem>>, %arg17: memref<5376xf32, #tpu.memory_space<vmem>>, %arg18: memref<5376xf32, #tpu.memory_space<vmem>>, %arg19: memref<5376xf32, #tpu.memory_space<vmem>>, %arg20: memref<112x16xf32, #tpu.memory_space<vmem>>, %arg21: memref<5376xf32, #tpu.memory_space<vmem>>, %arg22: memref<8xi32, #tpu.memory_space<smem>>) attributes {dimension_semantics = [#tpu.dimension_semantics<core_parallel>, #tpu.dimension_semantics<subcore_parallel>], iteration_bounds = array<i64: 2, 16>, scalar_prefetch = 0 : i64, scratch_operands = 13 : i64, tpu.core_type = #tpu.core_type<sc_vector_subcore>, window_params = [{transform_indices = #map}, {transform_indices = #map}, {transform_indices = #map}, {transform_indices = #map}, {transform_indices = #map}, {transform_indices = #map}, {transform_indices = #map}, {transform_indices = #map}]} {
    %mul3A = arith.constant 4 : i32
    %mul3A_0 = arith.muli %arg0, %mul3A : i32
    %jit3A = arith.constant 4 : i32
    %div3A = arith.divsi %arg1, %jit3A : i32
    %sign3A = arith.constant 0 : i32
    %sign3A_1 = arith.cmpi sgt, %arg1, %sign3A : i32
    %sign3A_2 = arith.extui %sign3A_1 : i1 to i32
    %sign3A_3 = arith.constant 0 : i32
    %sign3A_4 = arith.cmpi slt, %arg1, %sign3A_3 : i32
    %sign3A_5 = arith.extui %sign3A_4 : i1 to i32
    %sign3A_6 = arith.subi %sign3A_2, %sign3A_5 : i32
    %sign3A_7 = arith.constant 0 : i32
    %sign3A_8 = arith.cmpi sgt, %jit3A, %sign3A_7 : i32
    %sign3A_9 = arith.extui %sign3A_8 : i1 to i32
    %sign3A_10 = arith.constant 0 : i32
    %sign3A_11 = arith.cmpi slt, %jit3A, %sign3A_10 : i32
    %sign3A_12 = arith.extui %sign3A_11 : i1 to i32
    %sign3A_13 = arith.subi %sign3A_9, %sign3A_12 : i32
    %ne3A = arith.cmpi ne, %sign3A_6, %sign3A_13 : i32
    %rem3A = arith.remsi %arg1, %jit3A : i32
    %ne3A_14 = arith.constant 0 : i32
    %ne3A_15 = arith.cmpi ne, %rem3A, %ne3A_14 : i32
    %and3A = arith.andi %ne3A, %ne3A_15 : i1
    %sub3A = arith.constant 1 : i32
    %sub3A_16 = arith.subi %div3A, %sub3A : i32
    %select_n3A = arith.select %and3A, %sub3A_16, %div3A : i32
    %add3A = arith.addi %mul3A_0, %select_n3A : i32
    %jit3A_17 = arith.constant 4 : i32
    %eq3A = arith.constant 0 : i32
    %eq3A_18 = arith.cmpi eq, %jit3A_17, %eq3A : i32
    %jit3A_19 = arith.constant 1 : i32
    %select_n3A_20 = arith.select %eq3A_18, %jit3A_19, %jit3A_17 : i32
    %rem3A_21 = arith.remsi %arg1, %select_n3A_20 : i32
    %ne3A_22 = arith.constant 0 : i32
    %ne3A_23 = arith.cmpi ne, %rem3A_21, %ne3A_22 : i32
    %lt3A = arith.constant 0 : i32
    %lt3A_24 = arith.cmpi slt, %rem3A_21, %lt3A : i32
    %lt3A_25 = arith.constant 0 : i32
    %lt3A_26 = arith.cmpi slt, %select_n3A_20, %lt3A_25 : i32
    %ne3A_27 = arith.xori %lt3A_24, %lt3A_26 : i1
    %and3A_28 = arith.andi %ne3A_27, %ne3A_23 : i1
    %add3A_29 = arith.addi %rem3A_21, %select_n3A_20 : i32
    %select_n3A_30 = arith.select %and3A_28, %add3A_29, %rem3A_21 : i32
    %mul3A_31 = arith.constant 1344 : i32
    %mul3A_32 = arith.muli %select_n3A_30, %mul3A_31 : i32
    %jit3A_33 = arith.constant 4 : i32
    %div3A_34 = arith.divsi %arg1, %jit3A_33 : i32
    %sign3A_35 = arith.constant 0 : i32
    %sign3A_36 = arith.cmpi sgt, %arg1, %sign3A_35 : i32
    %sign3A_37 = arith.extui %sign3A_36 : i1 to i32
    %sign3A_38 = arith.constant 0 : i32
    %sign3A_39 = arith.cmpi slt, %arg1, %sign3A_38 : i32
    %sign3A_40 = arith.extui %sign3A_39 : i1 to i32
    %sign3A_41 = arith.subi %sign3A_37, %sign3A_40 : i32
    %sign3A_42 = arith.constant 0 : i32
    %sign3A_43 = arith.cmpi sgt, %jit3A_33, %sign3A_42 : i32
    %sign3A_44 = arith.extui %sign3A_43 : i1 to i32
    %sign3A_45 = arith.constant 0 : i32
    %sign3A_46 = arith.cmpi slt, %jit3A_33, %sign3A_45 : i32
    %sign3A_47 = arith.extui %sign3A_46 : i1 to i32
    %sign3A_48 = arith.subi %sign3A_44, %sign3A_47 : i32
    %ne3A_49 = arith.cmpi ne, %sign3A_41, %sign3A_48 : i32
    %rem3A_50 = arith.remsi %arg1, %jit3A_33 : i32
    %ne3A_51 = arith.constant 0 : i32
    %ne3A_52 = arith.cmpi ne, %rem3A_50, %ne3A_51 : i32
    %and3A_53 = arith.andi %ne3A_49, %ne3A_52 : i1
    %sub3A_54 = arith.constant 1 : i32
    %sub3A_55 = arith.subi %div3A_34, %sub3A_54 : i32
    %select_n3A_56 = arith.select %and3A_53, %sub3A_55, %div3A_34 : i32
    %mul3A_57 = arith.constant 4 : i32
    %mul3A_58 = arith.muli %select_n3A_56, %mul3A_57 : i32
    %run_scoped3A = arith.constant 0 : i32
    "tpu.region"() ({
      %run_scoped3A_92 = tpu.sem_alloc : memref<!tpu.dma_semaphore, #tpu.memory_space<semaphore_mem>>
      %dma_start3A = arith.constant 0 : i32
      %dma_start3A_93 = tpu.memref_slice %arg2[%add3A, %run_scoped3A, %dma_start3A] : memref<8x1x5376xf32, #tpu.memory_space<hbm>> -> memref<1x1x5376xf32, #tpu.memory_space<hbm>>
      %dma_start3A_94 = tpu.memref_squeeze %dma_start3A_93 : memref<1x1x5376xf32, #tpu.memory_space<hbm>> -> memref<5376xf32, #tpu.memory_space<hbm>>
      %dma_start3A_95 = arith.constant 0 : i32
      %dma_start3A_96 = tpu.memref_slice %arg2[%add3A, %run_scoped3A, %dma_start3A_95] : memref<8x1x5376xf32, #tpu.memory_space<hbm>> -> memref<1x1x5376xf32, #tpu.memory_space<hbm>>
      %dma_start3A_97 = tpu.memref_squeeze %dma_start3A_96 : memref<1x1x5376xf32, #tpu.memory_space<hbm>> -> memref<5376xf32, #tpu.memory_space<hbm>>
      tpu.enqueue_dma source(%dma_start3A_97 : memref<5376xf32, #tpu.memory_space<hbm>>) target(%arg10 : memref<5376xf32, #tpu.memory_space<vmem>>) target_semaphore(%run_scoped3A_92 : memref<!tpu.dma_semaphore, #tpu.memory_space<semaphore_mem>>)
      %dma_wait3A = arith.constant 0 : i32
      %dma_wait3A_98 = tpu.memref_slice %arg2[%add3A, %run_scoped3A, %dma_wait3A] : memref<8x1x5376xf32, #tpu.memory_space<hbm>> -> memref<1x1x5376xf32, #tpu.memory_space<hbm>>
      %dma_wait3A_99 = tpu.memref_squeeze %dma_wait3A_98 : memref<1x1x5376xf32, #tpu.memory_space<hbm>> -> memref<5376xf32, #tpu.memory_space<hbm>>
      %dma_wait3A_100 = arith.constant 0 : i32
      %dma_wait3A_101 = tpu.memref_slice %arg2[%add3A, %run_scoped3A, %dma_wait3A_100] : memref<8x1x5376xf32, #tpu.memory_space<hbm>> -> memref<1x1x5376xf32, #tpu.memory_space<hbm>>
      %dma_wait3A_102 = tpu.memref_squeeze %dma_wait3A_101 : memref<1x1x5376xf32, #tpu.memory_space<hbm>> -> memref<5376xf32, #tpu.memory_space<hbm>>
      tpu.wait_dma2 semaphore(%run_scoped3A_92 : memref<!tpu.dma_semaphore, #tpu.memory_space<semaphore_mem>>) src(%dma_wait3A_102 : memref<5376xf32, #tpu.memory_space<hbm>>) dst(%arg10 : memref<5376xf32, #tpu.memory_space<vmem>>)
      tpu.yield
    }) : () -> ()
    %run_scoped3A_59 = arith.constant 0 : i32
    "tpu.region"() ({
      %run_scoped3A_92 = tpu.sem_alloc : memref<!tpu.dma_semaphore, #tpu.memory_space<semaphore_mem>>
      %dma_start3A = arith.constant 0 : i32
      %dma_start3A_93 = tpu.memref_slice %arg3[%add3A, %run_scoped3A_59, %dma_start3A] : memref<8x1x5376xf32, #tpu.memory_space<hbm>> -> memref<1x1x5376xf32, #tpu.memory_space<hbm>>
      %dma_start3A_94 = tpu.memref_squeeze %dma_start3A_93 : memref<1x1x5376xf32, #tpu.memory_space<hbm>> -> memref<5376xf32, #tpu.memory_space<hbm>>
      %dma_start3A_95 = arith.constant 0 : i32
      %dma_start3A_96 = tpu.memref_slice %arg3[%add3A, %run_scoped3A_59, %dma_start3A_95] : memref<8x1x5376xf32, #tpu.memory_space<hbm>> -> memref<1x1x5376xf32, #tpu.memory_space<hbm>>
      %dma_start3A_97 = tpu.memref_squeeze %dma_start3A_96 : memref<1x1x5376xf32, #tpu.memory_space<hbm>> -> memref<5376xf32, #tpu.memory_space<hbm>>
      tpu.enqueue_dma source(%dma_start3A_97 : memref<5376xf32, #tpu.memory_space<hbm>>) target(%arg11 : memref<5376xf32, #tpu.memory_space<vmem>>) target_semaphore(%run_scoped3A_92 : memref<!tpu.dma_semaphore, #tpu.memory_space<semaphore_mem>>)
      %dma_wait3A = arith.constant 0 : i32
      %dma_wait3A_98 = tpu.memref_slice %arg3[%add3A, %run_scoped3A_59, %dma_wait3A] : memref<8x1x5376xf32, #tpu.memory_space<hbm>> -> memref<1x1x5376xf32, #tpu.memory_space<hbm>>
      %dma_wait3A_99 = tpu.memref_squeeze %dma_wait3A_98 : memref<1x1x5376xf32, #tpu.memory_space<hbm>> -> memref<5376xf32, #tpu.memory_space<hbm>>
      %dma_wait3A_100 = arith.constant 0 : i32
      %dma_wait3A_101 = tpu.memref_slice %arg3[%add3A, %run_scoped3A_59, %dma_wait3A_100] : memref<8x1x5376xf32, #tpu.memory_space<hbm>> -> memref<1x1x5376xf32, #tpu.memory_space<hbm>>
      %dma_wait3A_102 = tpu.memref_squeeze %dma_wait3A_101 : memref<1x1x5376xf32, #tpu.memory_space<hbm>> -> memref<5376xf32, #tpu.memory_space<hbm>>
      tpu.wait_dma2 semaphore(%run_scoped3A_92 : memref<!tpu.dma_semaphore, #tpu.memory_space<semaphore_mem>>) src(%dma_wait3A_102 : memref<5376xf32, #tpu.memory_space<hbm>>) dst(%arg11 : memref<5376xf32, #tpu.memory_space<vmem>>)
      tpu.yield
    }) : () -> ()
    %run_scoped3A_60 = arith.constant 0 : i32
    "tpu.region"() ({
      %run_scoped3A_92 = tpu.sem_alloc : memref<!tpu.dma_semaphore, #tpu.memory_space<semaphore_mem>>
      %dma_start3A = arith.constant 0 : i32
      %dma_start3A_93 = tpu.memref_slice %arg4[%add3A, %run_scoped3A_60, %dma_start3A] : memref<8x1x5376xf32, #tpu.memory_space<hbm>> -> memref<1x1x5376xf32, #tpu.memory_space<hbm>>
      %dma_start3A_94 = tpu.memref_squeeze %dma_start3A_93 : memref<1x1x5376xf32, #tpu.memory_space<hbm>> -> memref<5376xf32, #tpu.memory_space<hbm>>
      %dma_start3A_95 = arith.constant 0 : i32
      %dma_start3A_96 = tpu.memref_slice %arg4[%add3A, %run_scoped3A_60, %dma_start3A_95] : memref<8x1x5376xf32, #tpu.memory_space<hbm>> -> memref<1x1x5376xf32, #tpu.memory_space<hbm>>
      %dma_start3A_97 = tpu.memref_squeeze %dma_start3A_96 : memref<1x1x5376xf32, #tpu.memory_space<hbm>> -> memref<5376xf32, #tpu.memory_space<hbm>>
      tpu.enqueue_dma source(%dma_start3A_97 : memref<5376xf32, #tpu.memory_space<hbm>>) target(%arg12 : memref<5376xf32, #tpu.memory_space<vmem>>) target_semaphore(%run_scoped3A_92 : memref<!tpu.dma_semaphore, #tpu.memory_space<semaphore_mem>>)
      %dma_wait3A = arith.constant 0 : i32
      %dma_wait3A_98 = tpu.memref_slice %arg4[%add3A, %run_scoped3A_60, %dma_wait3A] : memref<8x1x5376xf32, #tpu.memory_space<hbm>> -> memref<1x1x5376xf32, #tpu.memory_space<hbm>>
      %dma_wait3A_99 = tpu.memref_squeeze %dma_wait3A_98 : memref<1x1x5376xf32, #tpu.memory_space<hbm>> -> memref<5376xf32, #tpu.memory_space<hbm>>
      %dma_wait3A_100 = arith.constant 0 : i32
      %dma_wait3A_101 = tpu.memref_slice %arg4[%add3A, %run_scoped3A_60, %dma_wait3A_100] : memref<8x1x5376xf32, #tpu.memory_space<hbm>> -> memref<1x1x5376xf32, #tpu.memory_space<hbm>>
      %dma_wait3A_102 = tpu.memref_squeeze %dma_wait3A_101 : memref<1x1x5376xf32, #tpu.memory_space<hbm>> -> memref<5376xf32, #tpu.memory_space<hbm>>
      tpu.wait_dma2 semaphore(%run_scoped3A_92 : memref<!tpu.dma_semaphore, #tpu.memory_space<semaphore_mem>>) src(%dma_wait3A_102 : memref<5376xf32, #tpu.memory_space<hbm>>) dst(%arg12 : memref<5376xf32, #tpu.memory_space<vmem>>)
      tpu.yield
    }) : () -> ()
    %run_scoped3A_61 = arith.constant 0 : i32
    "tpu.region"() ({
      %run_scoped3A_92 = tpu.sem_alloc : memref<!tpu.dma_semaphore, #tpu.memory_space<semaphore_mem>>
      %dma_start3A = arith.constant 0 : i32
      %dma_start3A_93 = tpu.memref_slice %arg5[%add3A, %run_scoped3A_61, %dma_start3A] : memref<8x1x5376xf32, #tpu.memory_space<hbm>> -> memref<1x1x5376xf32, #tpu.memory_space<hbm>>
      %dma_start3A_94 = tpu.memref_squeeze %dma_start3A_93 : memref<1x1x5376xf32, #tpu.memory_space<hbm>> -> memref<5376xf32, #tpu.memory_space<hbm>>
      %dma_start3A_95 = arith.constant 0 : i32
      %dma_start3A_96 = tpu.memref_slice %arg5[%add3A, %run_scoped3A_61, %dma_start3A_95] : memref<8x1x5376xf32, #tpu.memory_space<hbm>> -> memref<1x1x5376xf32, #tpu.memory_space<hbm>>
      %dma_start3A_97 = tpu.memref_squeeze %dma_start3A_96 : memref<1x1x5376xf32, #tpu.memory_space<hbm>> -> memref<5376xf32, #tpu.memory_space<hbm>>
      tpu.enqueue_dma source(%dma_start3A_97 : memref<5376xf32, #tpu.memory_space<hbm>>) target(%arg13 : memref<5376xf32, #tpu.memory_space<vmem>>) target_semaphore(%run_scoped3A_92 : memref<!tpu.dma_semaphore, #tpu.memory_space<semaphore_mem>>)
      %dma_wait3A = arith.constant 0 : i32
      %dma_wait3A_98 = tpu.memref_slice %arg5[%add3A, %run_scoped3A_61, %dma_wait3A] : memref<8x1x5376xf32, #tpu.memory_space<hbm>> -> memref<1x1x5376xf32, #tpu.memory_space<hbm>>
      %dma_wait3A_99 = tpu.memref_squeeze %dma_wait3A_98 : memref<1x1x5376xf32, #tpu.memory_space<hbm>> -> memref<5376xf32, #tpu.memory_space<hbm>>
      %dma_wait3A_100 = arith.constant 0 : i32
      %dma_wait3A_101 = tpu.memref_slice %arg5[%add3A, %run_scoped3A_61, %dma_wait3A_100] : memref<8x1x5376xf32, #tpu.memory_space<hbm>> -> memref<1x1x5376xf32, #tpu.memory_space<hbm>>
      %dma_wait3A_102 = tpu.memref_squeeze %dma_wait3A_101 : memref<1x1x5376xf32, #tpu.memory_space<hbm>> -> memref<5376xf32, #tpu.memory_space<hbm>>
      tpu.wait_dma2 semaphore(%run_scoped3A_92 : memref<!tpu.dma_semaphore, #tpu.memory_space<semaphore_mem>>) src(%dma_wait3A_102 : memref<5376xf32, #tpu.memory_space<hbm>>) dst(%arg13 : memref<5376xf32, #tpu.memory_space<vmem>>)
      tpu.yield
    }) : () -> ()
    %run_scoped3A_62 = arith.constant 0 : i32
    "tpu.region"() ({
      %run_scoped3A_92 = tpu.sem_alloc : memref<!tpu.dma_semaphore, #tpu.memory_space<semaphore_mem>>
      %dma_start3A = arith.constant 0 : i32
      %dma_start3A_93 = tpu.memref_slice %arg6[%add3A, %run_scoped3A_62, %dma_start3A] : memref<8x1x5376xf32, #tpu.memory_space<hbm>> -> memref<1x1x5376xf32, #tpu.memory_space<hbm>>
      %dma_start3A_94 = tpu.memref_squeeze %dma_start3A_93 : memref<1x1x5376xf32, #tpu.memory_space<hbm>> -> memref<5376xf32, #tpu.memory_space<hbm>>
      %dma_start3A_95 = arith.constant 0 : i32
      %dma_start3A_96 = tpu.memref_slice %arg6[%add3A, %run_scoped3A_62, %dma_start3A_95] : memref<8x1x5376xf32, #tpu.memory_space<hbm>> -> memref<1x1x5376xf32, #tpu.memory_space<hbm>>
      %dma_start3A_97 = tpu.memref_squeeze %dma_start3A_96 : memref<1x1x5376xf32, #tpu.memory_space<hbm>> -> memref<5376xf32, #tpu.memory_space<hbm>>
      tpu.enqueue_dma source(%dma_start3A_97 : memref<5376xf32, #tpu.memory_space<hbm>>) target(%arg14 : memref<5376xf32, #tpu.memory_space<vmem>>) target_semaphore(%run_scoped3A_92 : memref<!tpu.dma_semaphore, #tpu.memory_space<semaphore_mem>>)
      %dma_wait3A = arith.constant 0 : i32
      %dma_wait3A_98 = tpu.memref_slice %arg6[%add3A, %run_scoped3A_62, %dma_wait3A] : memref<8x1x5376xf32, #tpu.memory_space<hbm>> -> memref<1x1x5376xf32, #tpu.memory_space<hbm>>
      %dma_wait3A_99 = tpu.memref_squeeze %dma_wait3A_98 : memref<1x1x5376xf32, #tpu.memory_space<hbm>> -> memref<5376xf32, #tpu.memory_space<hbm>>
      %dma_wait3A_100 = arith.constant 0 : i32
      %dma_wait3A_101 = tpu.memref_slice %arg6[%add3A, %run_scoped3A_62, %dma_wait3A_100] : memref<8x1x5376xf32, #tpu.memory_space<hbm>> -> memref<1x1x5376xf32, #tpu.memory_space<hbm>>
      %dma_wait3A_102 = tpu.memref_squeeze %dma_wait3A_101 : memref<1x1x5376xf32, #tpu.memory_space<hbm>> -> memref<5376xf32, #tpu.memory_space<hbm>>
      tpu.wait_dma2 semaphore(%run_scoped3A_92 : memref<!tpu.dma_semaphore, #tpu.memory_space<semaphore_mem>>) src(%dma_wait3A_102 : memref<5376xf32, #tpu.memory_space<hbm>>) dst(%arg14 : memref<5376xf32, #tpu.memory_space<vmem>>)
      tpu.yield
    }) : () -> ()
    %run_scoped3A_63 = arith.constant 0 : i32
    "tpu.region"() ({
      %run_scoped3A_92 = tpu.sem_alloc : memref<!tpu.dma_semaphore, #tpu.memory_space<semaphore_mem>>
      %dma_start3A = arith.constant 0 : i32
      %dma_start3A_93 = tpu.memref_slice %arg7[%add3A, %run_scoped3A_63, %dma_start3A] : memref<8x1x5376xf32, #tpu.memory_space<hbm>> -> memref<1x1x5376xf32, #tpu.memory_space<hbm>>
      %dma_start3A_94 = tpu.memref_squeeze %dma_start3A_93 : memref<1x1x5376xf32, #tpu.memory_space<hbm>> -> memref<5376xf32, #tpu.memory_space<hbm>>
      %dma_start3A_95 = arith.constant 0 : i32
      %dma_start3A_96 = tpu.memref_slice %arg7[%add3A, %run_scoped3A_63, %dma_start3A_95] : memref<8x1x5376xf32, #tpu.memory_space<hbm>> -> memref<1x1x5376xf32, #tpu.memory_space<hbm>>
      %dma_start3A_97 = tpu.memref_squeeze %dma_start3A_96 : memref<1x1x5376xf32, #tpu.memory_space<hbm>> -> memref<5376xf32, #tpu.memory_space<hbm>>
      tpu.enqueue_dma source(%dma_start3A_97 : memref<5376xf32, #tpu.memory_space<hbm>>) target(%arg15 : memref<5376xf32, #tpu.memory_space<vmem>>) target_semaphore(%run_scoped3A_92 : memref<!tpu.dma_semaphore, #tpu.memory_space<semaphore_mem>>)
      %dma_wait3A = arith.constant 0 : i32
      %dma_wait3A_98 = tpu.memref_slice %arg7[%add3A, %run_scoped3A_63, %dma_wait3A] : memref<8x1x5376xf32, #tpu.memory_space<hbm>> -> memref<1x1x5376xf32, #tpu.memory_space<hbm>>
      %dma_wait3A_99 = tpu.memref_squeeze %dma_wait3A_98 : memref<1x1x5376xf32, #tpu.memory_space<hbm>> -> memref<5376xf32, #tpu.memory_space<hbm>>
      %dma_wait3A_100 = arith.constant 0 : i32
      %dma_wait3A_101 = tpu.memref_slice %arg7[%add3A, %run_scoped3A_63, %dma_wait3A_100] : memref<8x1x5376xf32, #tpu.memory_space<hbm>> -> memref<1x1x5376xf32, #tpu.memory_space<hbm>>
      %dma_wait3A_102 = tpu.memref_squeeze %dma_wait3A_101 : memref<1x1x5376xf32, #tpu.memory_space<hbm>> -> memref<5376xf32, #tpu.memory_space<hbm>>
      tpu.wait_dma2 semaphore(%run_scoped3A_92 : memref<!tpu.dma_semaphore, #tpu.memory_space<semaphore_mem>>) src(%dma_wait3A_102 : memref<5376xf32, #tpu.memory_space<hbm>>) dst(%arg15 : memref<5376xf32, #tpu.memory_space<vmem>>)
      tpu.yield
    }) : () -> ()
    %eq3A_64 = arith.constant 0 : i32
    %eq3A_65 = arith.cmpi eq, %select_n3A_30, %eq3A_64 : i32
    %convert_element_type3A = arith.extui %eq3A_65 : i1 to i32
    %cond3A = arith.constant 0 : i32
    %cond3A_66 = arith.cmpi ne, %convert_element_type3A, %cond3A : i32
    scf.if %cond3A_66 {
      %run_scoped3A_92 = arith.constant 0 : i32
      "tpu.region"() ({
        %run_scoped3A_96 = tpu.sem_alloc : memref<!tpu.dma_semaphore, #tpu.memory_space<semaphore_mem>>
        %dma_start3A = arith.constant 0 : i32
        %dma_start3A_97 = tpu.memref_slice %arg8[%add3A, %run_scoped3A_92, %dma_start3A] : memref<8x4x5376xf32, #tpu.memory_space<hbm>> -> memref<1x1x5376xf32, #tpu.memory_space<hbm>>
        %dma_start3A_98 = tpu.memref_squeeze %dma_start3A_97 : memref<1x1x5376xf32, #tpu.memory_space<hbm>> -> memref<5376xf32, #tpu.memory_space<hbm>>
        %dma_start3A_99 = arith.constant 0 : i32
        %dma_start3A_100 = tpu.memref_slice %arg8[%add3A, %run_scoped3A_92, %dma_start3A_99] : memref<8x4x5376xf32, #tpu.memory_space<hbm>> -> memref<1x1x5376xf32, #tpu.memory_space<hbm>>
        %dma_start3A_101 = tpu.memref_squeeze %dma_start3A_100 : memref<1x1x5376xf32, #tpu.memory_space<hbm>> -> memref<5376xf32, #tpu.memory_space<hbm>>
        tpu.enqueue_dma source(%dma_start3A_101 : memref<5376xf32, #tpu.memory_space<hbm>>) target(%arg16 : memref<5376xf32, #tpu.memory_space<vmem>>) target_semaphore(%run_scoped3A_96 : memref<!tpu.dma_semaphore, #tpu.memory_space<semaphore_mem>>)
        %dma_wait3A = arith.constant 0 : i32
        %dma_wait3A_102 = tpu.memref_slice %arg8[%add3A, %run_scoped3A_92, %dma_wait3A] : memref<8x4x5376xf32, #tpu.memory_space<hbm>> -> memref<1x1x5376xf32, #tpu.memory_space<hbm>>
        %dma_wait3A_103 = tpu.memref_squeeze %dma_wait3A_102 : memref<1x1x5376xf32, #tpu.memory_space<hbm>> -> memref<5376xf32, #tpu.memory_space<hbm>>
        %dma_wait3A_104 = arith.constant 0 : i32
        %dma_wait3A_105 = tpu.memref_slice %arg8[%add3A, %run_scoped3A_92, %dma_wait3A_104] : memref<8x4x5376xf32, #tpu.memory_space<hbm>> -> memref<1x1x5376xf32, #tpu.memory_space<hbm>>
        %dma_wait3A_106 = tpu.memref_squeeze %dma_wait3A_105 : memref<1x1x5376xf32, #tpu.memory_space<hbm>> -> memref<5376xf32, #tpu.memory_space<hbm>>
        tpu.wait_dma2 semaphore(%run_scoped3A_96 : memref<!tpu.dma_semaphore, #tpu.memory_space<semaphore_mem>>) src(%dma_wait3A_106 : memref<5376xf32, #tpu.memory_space<hbm>>) dst(%arg16 : memref<5376xf32, #tpu.memory_space<vmem>>)
        tpu.yield
      }) : () -> ()
      %run_scoped3A_93 = arith.constant 1 : i32
      "tpu.region"() ({
        %run_scoped3A_96 = tpu.sem_alloc : memref<!tpu.dma_semaphore, #tpu.memory_space<semaphore_mem>>
        %dma_start3A = arith.constant 0 : i32
        %dma_start3A_97 = tpu.memref_slice %arg8[%add3A, %run_scoped3A_93, %dma_start3A] : memref<8x4x5376xf32, #tpu.memory_space<hbm>> -> memref<1x1x5376xf32, #tpu.memory_space<hbm>>
        %dma_start3A_98 = tpu.memref_squeeze %dma_start3A_97 : memref<1x1x5376xf32, #tpu.memory_space<hbm>> -> memref<5376xf32, #tpu.memory_space<hbm>>
        %dma_start3A_99 = arith.constant 0 : i32
        %dma_start3A_100 = tpu.memref_slice %arg8[%add3A, %run_scoped3A_93, %dma_start3A_99] : memref<8x4x5376xf32, #tpu.memory_space<hbm>> -> memref<1x1x5376xf32, #tpu.memory_space<hbm>>
        %dma_start3A_101 = tpu.memref_squeeze %dma_start3A_100 : memref<1x1x5376xf32, #tpu.memory_space<hbm>> -> memref<5376xf32, #tpu.memory_space<hbm>>
        tpu.enqueue_dma source(%dma_start3A_101 : memref<5376xf32, #tpu.memory_space<hbm>>) target(%arg17 : memref<5376xf32, #tpu.memory_space<vmem>>) target_semaphore(%run_scoped3A_96 : memref<!tpu.dma_semaphore, #tpu.memory_space<semaphore_mem>>)
        %dma_wait3A = arith.constant 0 : i32
        %dma_wait3A_102 = tpu.memref_slice %arg8[%add3A, %run_scoped3A_93, %dma_wait3A] : memref<8x4x5376xf32, #tpu.memory_space<hbm>> -> memref<1x1x5376xf32, #tpu.memory_space<hbm>>
        %dma_wait3A_103 = tpu.memref_squeeze %dma_wait3A_102 : memref<1x1x5376xf32, #tpu.memory_space<hbm>> -> memref<5376xf32, #tpu.memory_space<hbm>>
        %dma_wait3A_104 = arith.constant 0 : i32
        %dma_wait3A_105 = tpu.memref_slice %arg8[%add3A, %run_scoped3A_93, %dma_wait3A_104] : memref<8x4x5376xf32, #tpu.memory_space<hbm>> -> memref<1x1x5376xf32, #tpu.memory_space<hbm>>
        %dma_wait3A_106 = tpu.memref_squeeze %dma_wait3A_105 : memref<1x1x5376xf32, #tpu.memory_space<hbm>> -> memref<5376xf32, #tpu.memory_space<hbm>>
        tpu.wait_dma2 semaphore(%run_scoped3A_96 : memref<!tpu.dma_semaphore, #tpu.memory_space<semaphore_mem>>) src(%dma_wait3A_106 : memref<5376xf32, #tpu.memory_space<hbm>>) dst(%arg17 : memref<5376xf32, #tpu.memory_space<vmem>>)
        tpu.yield
      }) : () -> ()
      %run_scoped3A_94 = arith.constant 2 : i32
      "tpu.region"() ({
        %run_scoped3A_96 = tpu.sem_alloc : memref<!tpu.dma_semaphore, #tpu.memory_space<semaphore_mem>>
        %dma_start3A = arith.constant 0 : i32
        %dma_start3A_97 = tpu.memref_slice %arg8[%add3A, %run_scoped3A_94, %dma_start3A] : memref<8x4x5376xf32, #tpu.memory_space<hbm>> -> memref<1x1x5376xf32, #tpu.memory_space<hbm>>
        %dma_start3A_98 = tpu.memref_squeeze %dma_start3A_97 : memref<1x1x5376xf32, #tpu.memory_space<hbm>> -> memref<5376xf32, #tpu.memory_space<hbm>>
        %dma_start3A_99 = arith.constant 0 : i32
        %dma_start3A_100 = tpu.memref_slice %arg8[%add3A, %run_scoped3A_94, %dma_start3A_99] : memref<8x4x5376xf32, #tpu.memory_space<hbm>> -> memref<1x1x5376xf32, #tpu.memory_space<hbm>>
        %dma_start3A_101 = tpu.memref_squeeze %dma_start3A_100 : memref<1x1x5376xf32, #tpu.memory_space<hbm>> -> memref<5376xf32, #tpu.memory_space<hbm>>
        tpu.enqueue_dma source(%dma_start3A_101 : memref<5376xf32, #tpu.memory_space<hbm>>) target(%arg18 : memref<5376xf32, #tpu.memory_space<vmem>>) target_semaphore(%run_scoped3A_96 : memref<!tpu.dma_semaphore, #tpu.memory_space<semaphore_mem>>)
        %dma_wait3A = arith.constant 0 : i32
        %dma_wait3A_102 = tpu.memref_slice %arg8[%add3A, %run_scoped3A_94, %dma_wait3A] : memref<8x4x5376xf32, #tpu.memory_space<hbm>> -> memref<1x1x5376xf32, #tpu.memory_space<hbm>>
        %dma_wait3A_103 = tpu.memref_squeeze %dma_wait3A_102 : memref<1x1x5376xf32, #tpu.memory_space<hbm>> -> memref<5376xf32, #tpu.memory_space<hbm>>
        %dma_wait3A_104 = arith.constant 0 : i32
        %dma_wait3A_105 = tpu.memref_slice %arg8[%add3A, %run_scoped3A_94, %dma_wait3A_104] : memref<8x4x5376xf32, #tpu.memory_space<hbm>> -> memref<1x1x5376xf32, #tpu.memory_space<hbm>>
        %dma_wait3A_106 = tpu.memref_squeeze %dma_wait3A_105 : memref<1x1x5376xf32, #tpu.memory_space<hbm>> -> memref<5376xf32, #tpu.memory_space<hbm>>
        tpu.wait_dma2 semaphore(%run_scoped3A_96 : memref<!tpu.dma_semaphore, #tpu.memory_space<semaphore_mem>>) src(%dma_wait3A_106 : memref<5376xf32, #tpu.memory_space<hbm>>) dst(%arg18 : memref<5376xf32, #tpu.memory_space<vmem>>)
        tpu.yield
      }) : () -> ()
      %run_scoped3A_95 = arith.constant 3 : i32
      "tpu.region"() ({
        %run_scoped3A_96 = tpu.sem_alloc : memref<!tpu.dma_semaphore, #tpu.memory_space<semaphore_mem>>
        %dma_start3A = arith.constant 0 : i32
        %dma_start3A_97 = tpu.memref_slice %arg8[%add3A, %run_scoped3A_95, %dma_start3A] : memref<8x4x5376xf32, #tpu.memory_space<hbm>> -> memref<1x1x5376xf32, #tpu.memory_space<hbm>>
        %dma_start3A_98 = tpu.memref_squeeze %dma_start3A_97 : memref<1x1x5376xf32, #tpu.memory_space<hbm>> -> memref<5376xf32, #tpu.memory_space<hbm>>
        %dma_start3A_99 = arith.constant 0 : i32
        %dma_start3A_100 = tpu.memref_slice %arg8[%add3A, %run_scoped3A_95, %dma_start3A_99] : memref<8x4x5376xf32, #tpu.memory_space<hbm>> -> memref<1x1x5376xf32, #tpu.memory_space<hbm>>
        %dma_start3A_101 = tpu.memref_squeeze %dma_start3A_100 : memref<1x1x5376xf32, #tpu.memory_space<hbm>> -> memref<5376xf32, #tpu.memory_space<hbm>>
        tpu.enqueue_dma source(%dma_start3A_101 : memref<5376xf32, #tpu.memory_space<hbm>>) target(%arg19 : memref<5376xf32, #tpu.memory_space<vmem>>) target_semaphore(%run_scoped3A_96 : memref<!tpu.dma_semaphore, #tpu.memory_space<semaphore_mem>>)
        %dma_wait3A = arith.constant 0 : i32
        %dma_wait3A_102 = tpu.memref_slice %arg8[%add3A, %run_scoped3A_95, %dma_wait3A] : memref<8x4x5376xf32, #tpu.memory_space<hbm>> -> memref<1x1x5376xf32, #tpu.memory_space<hbm>>
        %dma_wait3A_103 = tpu.memref_squeeze %dma_wait3A_102 : memref<1x1x5376xf32, #tpu.memory_space<hbm>> -> memref<5376xf32, #tpu.memory_space<hbm>>
        %dma_wait3A_104 = arith.constant 0 : i32
        %dma_wait3A_105 = tpu.memref_slice %arg8[%add3A, %run_scoped3A_95, %dma_wait3A_104] : memref<8x4x5376xf32, #tpu.memory_space<hbm>> -> memref<1x1x5376xf32, #tpu.memory_space<hbm>>
        %dma_wait3A_106 = tpu.memref_squeeze %dma_wait3A_105 : memref<1x1x5376xf32, #tpu.memory_space<hbm>> -> memref<5376xf32, #tpu.memory_space<hbm>>
        tpu.wait_dma2 semaphore(%run_scoped3A_96 : memref<!tpu.dma_semaphore, #tpu.memory_space<semaphore_mem>>) src(%dma_wait3A_106 : memref<5376xf32, #tpu.memory_space<hbm>>) dst(%arg19 : memref<5376xf32, #tpu.memory_space<vmem>>)
        tpu.yield
      }) : () -> ()
    } else {
    }
    %iota3A = tpu.iota {dimensions = array<i32: 0>} : vector<16xi32>
    %broadcast_in_dim3A = arith.constant 0xFF800000 : f32
    %broadcast_in_dim3A_67 = vector.broadcast %broadcast_in_dim3A : f32 to vector<16xf32>
    %broadcast_in_dim3A_68 = arith.constant 0 : i32
    %broadcast_in_dim3A_69 = vector.broadcast %broadcast_in_dim3A_68 : i32 to vector<16xi32>
    %scan3A = arith.constant 0 : i32
    %scan3A_70 = arith.constant 84 : i32
    %scan3A_71 = arith.addi %scan3A, %scan3A_70 : i32
    %scan3A_72 = arith.constant 1 : i32
    %scan3A_73:2 = scf.for %scan3A_92 = %scan3A to %scan3A_71 step %scan3A_72 iter_args(%scan3A_93 = %broadcast_in_dim3A_67, %scan3A_94 = %broadcast_in_dim3A_69) -> (vector<16xf32>, vector<16xi32>)  : i32 {
      %mul3A_95 = arith.constant 16 : i32
      %mul3A_96 = arith.muli %scan3A_92, %mul3A_95 : i32
      %add3A_97 = arith.addi %mul3A_32, %mul3A_96 : i32
      %get3A = arith.index_cast %add3A_97 : i32 to index
      %get3A_98 = tpu.vector_load %arg15[%get3A] {strides = array<i32>} : memref<5376xf32, #tpu.memory_space<vmem>>, vector<16xf32>,
      %mul3A_99 = arith.constant 16 : i32
      %mul3A_100 = arith.muli %scan3A_92, %mul3A_99 : i32
      %add3A_101 = arith.addi %mul3A_32, %mul3A_100 : i32
      %add3A_102 = vector.broadcast %add3A_101 : i32 to vector<16xi32>
      %add3A_103 = arith.addi %iota3A, %add3A_102 : vector<16xi32>
      %gt3A = arith.cmpf ogt, %get3A_98, %scan3A_93 : vector<16xf32>
      %select_n3A_104 = arith.select %gt3A, %get3A_98, %scan3A_93 : vector<16xi1>, vector<16xf32>
      %select_n3A_105 = arith.select %gt3A, %add3A_103, %scan3A_94 : vector<16xi1>, vector<16xi32>
      scf.yield %select_n3A_104, %select_n3A_105 : vector<16xf32>, vector<16xi32>
    }
    %scan3A_74 = arith.constant 84 : i32
    %scan3A_75 = arith.constant 0 : i32
    %scan3A_76 = arith.constant 0 : i32
    %scan3A_77 = arith.constant 84 : i32
    %scan3A_78 = arith.addi %scan3A_76, %scan3A_77 : i32
    %scan3A_79 = arith.constant 1 : i32
    scf.for %scan3A_92 = %scan3A_76 to %scan3A_78 step %scan3A_79  : i32 {
      %mul3A_93 = arith.constant 16 : i32
      %mul3A_94 = arith.muli %scan3A_92, %mul3A_93 : i32
      %add3A_95 = arith.addi %mul3A_32, %mul3A_94 : i32
      %get3A = arith.index_cast %add3A_95 : i32 to index
      %get3A_96 = tpu.vector_load %arg14[%get3A] {strides = array<i32>} : memref<5376xf32, #tpu.memory_space<vmem>>, vector<16xf32>,
      %mul3A_97 = arith.constant 0.411764711 : f32
      %mul3A_98 = vector.broadcast %mul3A_97 : f32 to vector<16xf32>
      %mul3A_99 = arith.mulf %get3A_96, %mul3A_98 : vector<16xf32>
      %swap3A = arith.index_cast %add3A_95 : i32 to index
      %swap3A_100 = tpu.vector_load %arg21[%swap3A] {strides = array<i32>} : memref<5376xf32, #tpu.memory_space<vmem>>, vector<16xf32>,
      tpu.vector_store %arg21[%swap3A], %mul3A_99 {strides = array<i32>} : memref<5376xf32, #tpu.memory_space<vmem>>, vector<16xf32>,
    }
    %scan3A_80 = arith.constant 84 : i32
    %scan3A_81 = arith.constant 0 : i32
    %scan3A_82 = arith.constant 100 : i32
    %scan3A_83 = arith.addi %scan3A_81, %scan3A_82 : i32
    %scan3A_84 = arith.constant 1 : i32
    %scan3A_85:2 = scf.for %scan3A_92 = %scan3A_81 to %scan3A_83 step %scan3A_84 iter_args(%scan3A_93 = %scan3A_73#0, %scan3A_94 = %scan3A_73#1) -> (vector<16xf32>, vector<16xi32>)  : i32 {
      %xor3A = arith.constant 8 : i32
      %xor3A_95 = vector.broadcast %xor3A : i32 to vector<16xi32>
      %xor3A_96 = arith.xori %iota3A, %xor3A_95 : vector<16xi32>
      %lt3A_97 = arith.constant 0 : i32
      %lt3A_98 = vector.broadcast %lt3A_97 : i32 to vector<16xi32>
      %lt3A_99 = arith.cmpi slt, %xor3A_96, %lt3A_98 : vector<16xi32>
      %add3A_100 = arith.constant 16 : i32
      %add3A_101 = vector.broadcast %add3A_100 : i32 to vector<16xi32>
      %add3A_102 = arith.addi %xor3A_96, %add3A_101 : vector<16xi32>
      %select_n3A_103 = arith.select %lt3A_99, %add3A_102, %xor3A_96 : vector<16xi1>, vector<16xi32>
      %broadcast_in_dim3A_104 = vector.shape_cast %select_n3A_103 : vector<16xi32> to vector<16x1xi32>
      %gather3A = vector.shape_cast %broadcast_in_dim3A_104 : vector<16x1xi32> to vector<16xi32>
      %gather3A_105 = tpu.dynamic_gather %scan3A_93[%gather3A] in [0] : vector<16xf32>, vector<16xi32> -> vector<16xf32>
      %max3A = arith.maximumf %scan3A_93, %gather3A_105 : vector<16xf32>
      %xor3A_106 = arith.constant 4 : i32
      %xor3A_107 = vector.broadcast %xor3A_106 : i32 to vector<16xi32>
      %xor3A_108 = arith.xori %iota3A, %xor3A_107 : vector<16xi32>
      %lt3A_109 = arith.constant 0 : i32
      %lt3A_110 = vector.broadcast %lt3A_109 : i32 to vector<16xi32>
      %lt3A_111 = arith.cmpi slt, %xor3A_108, %lt3A_110 : vector<16xi32>
      %add3A_112 = arith.constant 16 : i32
      %add3A_113 = vector.broadcast %add3A_112 : i32 to vector<16xi32>
      %add3A_114 = arith.addi %xor3A_108, %add3A_113 : vector<16xi32>
      %select_n3A_115 = arith.select %lt3A_111, %add3A_114, %xor3A_108 : vector<16xi1>, vector<16xi32>
      %broadcast_in_dim3A_116 = vector.shape_cast %select_n3A_115 : vector<16xi32> to vector<16x1xi32>
      %gather3A_117 = vector.shape_cast %broadcast_in_dim3A_116 : vector<16x1xi32> to vector<16xi32>
      %gather3A_118 = tpu.dynamic_gather %max3A[%gather3A_117] in [0] : vector<16xf32>, vector<16xi32> -> vector<16xf32>
      %max3A_119 = arith.maximumf %max3A, %gather3A_118 : vector<16xf32>
      %xor3A_120 = arith.constant 2 : i32
      %xor3A_121 = vector.broadcast %xor3A_120 : i32 to vector<16xi32>
      %xor3A_122 = arith.xori %iota3A, %xor3A_121 : vector<16xi32>
      %lt3A_123 = arith.constant 0 : i32
      %lt3A_124 = vector.broadcast %lt3A_123 : i32 to vector<16xi32>
      %lt3A_125 = arith.cmpi slt, %xor3A_122, %lt3A_124 : vector<16xi32>
      %add3A_126 = arith.constant 16 : i32
      %add3A_127 = vector.broadcast %add3A_126 : i32 to vector<16xi32>
      %add3A_128 = arith.addi %xor3A_122, %add3A_127 : vector<16xi32>
      %select_n3A_129 = arith.select %lt3A_125, %add3A_128, %xor3A_122 : vector<16xi1>, vector<16xi32>
      %broadcast_in_dim3A_130 = vector.shape_cast %select_n3A_129 : vector<16xi32> to vector<16x1xi32>
      %gather3A_131 = vector.shape_cast %broadcast_in_dim3A_130 : vector<16x1xi32> to vector<16xi32>
      %gather3A_132 = tpu.dynamic_gather %max3A_119[%gather3A_131] in [0] : vector<16xf32>, vector<16xi32> -> vector<16xf32>
      %max3A_133 = arith.maximumf %max3A_119, %gather3A_132 : vector<16xf32>
      %xor3A_134 = arith.constant 1 : i32
      %xor3A_135 = vector.broadcast %xor3A_134 : i32 to vector<16xi32>
      %xor3A_136 = arith.xori %iota3A, %xor3A_135 : vector<16xi32>
      %lt3A_137 = arith.constant 0 : i32
      %lt3A_138 = vector.broadcast %lt3A_137 : i32 to vector<16xi32>
      %lt3A_139 = arith.cmpi slt, %xor3A_136, %lt3A_138 : vector<16xi32>
      %add3A_140 = arith.constant 16 : i32
      %add3A_141 = vector.broadcast %add3A_140 : i32 to vector<16xi32>
      %add3A_142 = arith.addi %xor3A_136, %add3A_141 : vector<16xi32>
      %select_n3A_143 = arith.select %lt3A_139, %add3A_142, %xor3A_136 : vector<16xi1>, vector<16xi32>
      %broadcast_in_dim3A_144 = vector.shape_cast %select_n3A_143 : vector<16xi32> to vector<16x1xi32>
      %gather3A_145 = vector.shape_cast %broadcast_in_dim3A_144 : vector<16x1xi32> to vector<16xi32>
      %gather3A_146 = tpu.dynamic_gather %max3A_133[%gather3A_145] in [0] : vector<16xf32>, vector<16xi32> -> vector<16xf32>
      %max3A_147 = arith.maximumf %max3A_133, %gather3A_146 : vector<16xf32>
      %eq3A_148 = arith.cmpf oeq, %scan3A_93, %max3A_147 : vector<16xf32>
      %jit3A_149 = arith.constant 2147483647 : i32
      %broadcast_in_dim3A_150 = vector.broadcast %jit3A_149 : i32 to vector<16xi32>
      %select_n3A_151 = arith.select %eq3A_148, %scan3A_94, %broadcast_in_dim3A_150 : vector<16xi1>, vector<16xi32>
      %xor3A_152 = arith.constant 8 : i32
      %xor3A_153 = vector.broadcast %xor3A_152 : i32 to vector<16xi32>
      %xor3A_154 = arith.xori %iota3A, %xor3A_153 : vector<16xi32>
      %lt3A_155 = arith.constant 0 : i32
      %lt3A_156 = vector.broadcast %lt3A_155 : i32 to vector<16xi32>
      %lt3A_157 = arith.cmpi slt, %xor3A_154, %lt3A_156 : vector<16xi32>
      %add3A_158 = arith.constant 16 : i32
      %add3A_159 = vector.broadcast %add3A_158 : i32 to vector<16xi32>
      %add3A_160 = arith.addi %xor3A_154, %add3A_159 : vector<16xi32>
      %select_n3A_161 = arith.select %lt3A_157, %add3A_160, %xor3A_154 : vector<16xi1>, vector<16xi32>
      %broadcast_in_dim3A_162 = vector.shape_cast %select_n3A_161 : vector<16xi32> to vector<16x1xi32>
      %gather3A_163 = vector.shape_cast %broadcast_in_dim3A_162 : vector<16x1xi32> to vector<16xi32>
      %gather3A_164 = tpu.dynamic_gather %select_n3A_151[%gather3A_163] in [0] : vector<16xi32>, vector<16xi32> -> vector<16xi32>
      %min3A = arith.minsi %select_n3A_151, %gather3A_164 : vector<16xi32>
      %xor3A_165 = arith.constant 4 : i32
      %xor3A_166 = vector.broadcast %xor3A_165 : i32 to vector<16xi32>
      %xor3A_167 = arith.xori %iota3A, %xor3A_166 : vector<16xi32>
      %lt3A_168 = arith.constant 0 : i32
      %lt3A_169 = vector.broadcast %lt3A_168 : i32 to vector<16xi32>
      %lt3A_170 = arith.cmpi slt, %xor3A_167, %lt3A_169 : vector<16xi32>
      %add3A_171 = arith.constant 16 : i32
      %add3A_172 = vector.broadcast %add3A_171 : i32 to vector<16xi32>
      %add3A_173 = arith.addi %xor3A_167, %add3A_172 : vector<16xi32>
      %select_n3A_174 = arith.select %lt3A_170, %add3A_173, %xor3A_167 : vector<16xi1>, vector<16xi32>
      %broadcast_in_dim3A_175 = vector.shape_cast %select_n3A_174 : vector<16xi32> to vector<16x1xi32>
      %gather3A_176 = vector.shape_cast %broadcast_in_dim3A_175 : vector<16x1xi32> to vector<16xi32>
      %gather3A_177 = tpu.dynamic_gather %min3A[%gather3A_176] in [0] : vector<16xi32>, vector<16xi32> -> vector<16xi32>
      %min3A_178 = arith.minsi %min3A, %gather3A_177 : vector<16xi32>
      %xor3A_179 = arith.constant 2 : i32
      %xor3A_180 = vector.broadcast %xor3A_179 : i32 to vector<16xi32>
      %xor3A_181 = arith.xori %iota3A, %xor3A_180 : vector<16xi32>
      %lt3A_182 = arith.constant 0 : i32
      %lt3A_183 = vector.broadcast %lt3A_182 : i32 to vector<16xi32>
      %lt3A_184 = arith.cmpi slt, %xor3A_181, %lt3A_183 : vector<16xi32>
      %add3A_185 = arith.constant 16 : i32
      %add3A_186 = vector.broadcast %add3A_185 : i32 to vector<16xi32>
      %add3A_187 = arith.addi %xor3A_181, %add3A_186 : vector<16xi32>
      %select_n3A_188 = arith.select %lt3A_184, %add3A_187, %xor3A_181 : vector<16xi1>, vector<16xi32>
      %broadcast_in_dim3A_189 = vector.shape_cast %select_n3A_188 : vector<16xi32> to vector<16x1xi32>
      %gather3A_190 = vector.shape_cast %broadcast_in_dim3A_189 : vector<16x1xi32> to vector<16xi32>
      %gather3A_191 = tpu.dynamic_gather %min3A_178[%gather3A_190] in [0] : vector<16xi32>, vector<16xi32> -> vector<16xi32>
      %min3A_192 = arith.minsi %min3A_178, %gather3A_191 : vector<16xi32>
      %xor3A_193 = arith.constant 1 : i32
      %xor3A_194 = vector.broadcast %xor3A_193 : i32 to vector<16xi32>
      %xor3A_195 = arith.xori %iota3A, %xor3A_194 : vector<16xi32>
      %lt3A_196 = arith.constant 0 : i32
      %lt3A_197 = vector.broadcast %lt3A_196 : i32 to vector<16xi32>
      %lt3A_198 = arith.cmpi slt, %xor3A_195, %lt3A_197 : vector<16xi32>
      %add3A_199 = arith.constant 16 : i32
      %add3A_200 = vector.broadcast %add3A_199 : i32 to vector<16xi32>
      %add3A_201 = arith.addi %xor3A_195, %add3A_200 : vector<16xi32>
      %select_n3A_202 = arith.select %lt3A_198, %add3A_201, %xor3A_195 : vector<16xi1>, vector<16xi32>
      %broadcast_in_dim3A_203 = vector.shape_cast %select_n3A_202 : vector<16xi32> to vector<16x1xi32>
      %gather3A_204 = vector.shape_cast %broadcast_in_dim3A_203 : vector<16x1xi32> to vector<16xi32>
      %gather3A_205 = tpu.dynamic_gather %min3A_192[%gather3A_204] in [0] : vector<16xi32>, vector<16xi32> -> vector<16xi32>
      %min3A_206 = arith.minsi %min3A_192, %gather3A_205 : vector<16xi32>
      %bitcast3A = vector.bitcast %max3A_147 : vector<16xf32> to vector<16xi32>
      %slice3A = vector.extract_strided_slice %bitcast3A {offsets = [0], sizes = [1], strides = [1]} : vector<16xi32> to vector<1xi32>
      %squeeze3A = vector.extract %slice3A[0] : i32 from vector<1xi32>
      %slice3A_207 = vector.extract_strided_slice %min3A_206 {offsets = [0], sizes = [1], strides = [1]} : vector<16xi32> to vector<1xi32>
      %squeeze3A_208 = vector.extract %slice3A_207[0] : i32 from vector<1xi32>
      %and3A_209 = arith.constant 1 : i32
      %and3A_210 = arith.andi %scan3A_92, %and3A_209 : i32
      %mul3A_211 = arith.constant 2 : i32
      %mul3A_212 = arith.muli %mul3A_211, %and3A_210 : i32
      %swap3A = arith.index_cast %mul3A_212 : i32 to index
      %swap3A_213 = memref.load %arg22[%swap3A] : memref<8xi32, #tpu.memory_space<smem>>
      memref.store %squeeze3A, %arg22[%swap3A] : memref<8xi32, #tpu.memory_space<smem>>
      %add3A_214 = arith.constant 1 : i32
      %add3A_215 = arith.addi %mul3A_212, %add3A_214 : i32
      %swap3A_216 = arith.index_cast %add3A_215 : i32 to index
      %swap3A_217 = memref.load %arg22[%swap3A_216] : memref<8xi32, #tpu.memory_space<smem>>
      memref.store %squeeze3A_208, %arg22[%swap3A_216] : memref<8xi32, #tpu.memory_space<smem>>
      %barrier3A = arith.constant 0 : index
      tpu.barrier barrier_id(%barrier3A)
      %sc_fetch_and_add3A = arith.constant 0 : i32
      %sc_fetch_and_add3A_218 = tpu.fetch_and_add_sync %arg22[%mul3A_212], %sc_fetch_and_add3A, %mul3A_58 : memref<8xi32, #tpu.memory_space<smem>>, i32 -> i32
      %broadcast_in_dim3A_219 = vector.broadcast %sc_fetch_and_add3A_218 : i32 to vector<16xi32>
      %add3A_220 = arith.constant 1 : i32
      %add3A_221 = arith.addi %mul3A_58, %add3A_220 : i32
      %sc_fetch_and_add3A_222 = arith.constant 0 : i32
      %sc_fetch_and_add3A_223 = tpu.fetch_and_add_sync %arg22[%mul3A_212], %sc_fetch_and_add3A_222, %add3A_221 : memref<8xi32, #tpu.memory_space<smem>>, i32 -> i32
      %eq3A_224 = arith.constant 1 : i32
      %eq3A_225 = vector.broadcast %eq3A_224 : i32 to vector<16xi32>
      %eq3A_226 = arith.cmpi eq, %iota3A, %eq3A_225 : vector<16xi32>
      %broadcast_in_dim3A_227 = vector.broadcast %sc_fetch_and_add3A_223 : i32 to vector<16xi32>
      %select_n3A_228 = arith.select %eq3A_226, %broadcast_in_dim3A_227, %broadcast_in_dim3A_219 : vector<16xi1>, vector<16xi32>
      %add3A_229 = arith.constant 2 : i32
      %add3A_230 = arith.addi %mul3A_58, %add3A_229 : i32
      %sc_fetch_and_add3A_231 = arith.constant 0 : i32
      %sc_fetch_and_add3A_232 = tpu.fetch_and_add_sync %arg22[%mul3A_212], %sc_fetch_and_add3A_231, %add3A_230 : memref<8xi32, #tpu.memory_space<smem>>, i32 -> i32
      %eq3A_233 = arith.constant 2 : i32
      %eq3A_234 = vector.broadcast %eq3A_233 : i32 to vector<16xi32>
      %eq3A_235 = arith.cmpi eq, %iota3A, %eq3A_234 : vector<16xi32>
      %broadcast_in_dim3A_236 = vector.broadcast %sc_fetch_and_add3A_232 : i32 to vector<16xi32>
      %select_n3A_237 = arith.select %eq3A_235, %broadcast_in_dim3A_236, %select_n3A_228 : vector<16xi1>, vector<16xi32>
      %add3A_238 = arith.constant 3 : i32
      %add3A_239 = arith.addi %mul3A_58, %add3A_238 : i32
      %sc_fetch_and_add3A_240 = arith.constant 0 : i32
      %sc_fetch_and_add3A_241 = tpu.fetch_and_add_sync %arg22[%mul3A_212], %sc_fetch_and_add3A_240, %add3A_239 : memref<8xi32, #tpu.memory_space<smem>>, i32 -> i32
      %eq3A_242 = arith.constant 3 : i32
      %eq3A_243 = vector.broadcast %eq3A_242 : i32 to vector<16xi32>
      %eq3A_244 = arith.cmpi eq, %iota3A, %eq3A_243 : vector<16xi32>
      %broadcast_in_dim3A_245 = vector.broadcast %sc_fetch_and_add3A_241 : i32 to vector<16xi32>
      %select_n3A_246 = arith.select %eq3A_244, %broadcast_in_dim3A_245, %select_n3A_237 : vector<16xi1>, vector<16xi32>
      %bitcast3A_247 = vector.bitcast %select_n3A_246 : vector<16xi32> to vector<16xf32>
      %xor3A_248 = arith.constant 8 : i32
      %xor3A_249 = vector.broadcast %xor3A_248 : i32 to vector<16xi32>
      %xor3A_250 = arith.xori %iota3A, %xor3A_249 : vector<16xi32>
      %lt3A_251 = arith.constant 0 : i32
      %lt3A_252 = vector.broadcast %lt3A_251 : i32 to vector<16xi32>
      %lt3A_253 = arith.cmpi slt, %xor3A_250, %lt3A_252 : vector<16xi32>
      %add3A_254 = arith.constant 16 : i32
      %add3A_255 = vector.broadcast %add3A_254 : i32 to vector<16xi32>
      %add3A_256 = arith.addi %xor3A_250, %add3A_255 : vector<16xi32>
      %select_n3A_257 = arith.select %lt3A_253, %add3A_256, %xor3A_250 : vector<16xi1>, vector<16xi32>
      %broadcast_in_dim3A_258 = vector.shape_cast %select_n3A_257 : vector<16xi32> to vector<16x1xi32>
      %gather3A_259 = vector.shape_cast %broadcast_in_dim3A_258 : vector<16x1xi32> to vector<16xi32>
      %gather3A_260 = tpu.dynamic_gather %bitcast3A_247[%gather3A_259] in [0] : vector<16xf32>, vector<16xi32> -> vector<16xf32>
      %max3A_261 = arith.maximumf %bitcast3A_247, %gather3A_260 : vector<16xf32>
      %xor3A_262 = arith.constant 4 : i32
      %xor3A_263 = vector.broadcast %xor3A_262 : i32 to vector<16xi32>
      %xor3A_264 = arith.xori %iota3A, %xor3A_263 : vector<16xi32>
      %lt3A_265 = arith.constant 0 : i32
      %lt3A_266 = vector.broadcast %lt3A_265 : i32 to vector<16xi32>
      %lt3A_267 = arith.cmpi slt, %xor3A_264, %lt3A_266 : vector<16xi32>
      %add3A_268 = arith.constant 16 : i32
      %add3A_269 = vector.broadcast %add3A_268 : i32 to vector<16xi32>
      %add3A_270 = arith.addi %xor3A_264, %add3A_269 : vector<16xi32>
      %select_n3A_271 = arith.select %lt3A_267, %add3A_270, %xor3A_264 : vector<16xi1>, vector<16xi32>
      %broadcast_in_dim3A_272 = vector.shape_cast %select_n3A_271 : vector<16xi32> to vector<16x1xi32>
      %gather3A_273 = vector.shape_cast %broadcast_in_dim3A_272 : vector<16x1xi32> to vector<16xi32>
      %gather3A_274 = tpu.dynamic_gather %max3A_261[%gather3A_273] in [0] : vector<16xf32>, vector<16xi32> -> vector<16xf32>
      %max3A_275 = arith.maximumf %max3A_261, %gather3A_274 : vector<16xf32>
      %xor3A_276 = arith.constant 2 : i32
      %xor3A_277 = vector.broadcast %xor3A_276 : i32 to vector<16xi32>
      %xor3A_278 = arith.xori %iota3A, %xor3A_277 : vector<16xi32>
      %lt3A_279 = arith.constant 0 : i32
      %lt3A_280 = vector.broadcast %lt3A_279 : i32 to vector<16xi32>
      %lt3A_281 = arith.cmpi slt, %xor3A_278, %lt3A_280 : vector<16xi32>
      %add3A_282 = arith.constant 16 : i32
      %add3A_283 = vector.broadcast %add3A_282 : i32 to vector<16xi32>
      %add3A_284 = arith.addi %xor3A_278, %add3A_283 : vector<16xi32>
      %select_n3A_285 = arith.select %lt3A_281, %add3A_284, %xor3A_278 : vector<16xi1>, vector<16xi32>
      %broadcast_in_dim3A_286 = vector.shape_cast %select_n3A_285 : vector<16xi32> to vector<16x1xi32>
      %gather3A_287 = vector.shape_cast %broadcast_in_dim3A_286 : vector<16x1xi32> to vector<16xi32>
      %gather3A_288 = tpu.dynamic_gather %max3A_275[%gather3A_287] in [0] : vector<16xf32>, vector<16xi32> -> vector<16xf32>
      %max3A_289 = arith.maximumf %max3A_275, %gather3A_288 : vector<16xf32>
      %xor3A_290 = arith.constant 1 : i32
      %xor3A_291 = vector.broadcast %xor3A_290 : i32 to vector<16xi32>
      %xor3A_292 = arith.xori %iota3A, %xor3A_291 : vector<16xi32>
      %lt3A_293 = arith.constant 0 : i32
      %lt3A_294 = vector.broadcast %lt3A_293 : i32 to vector<16xi32>
      %lt3A_295 = arith.cmpi slt, %xor3A_292, %lt3A_294 : vector<16xi32>
      %add3A_296 = arith.constant 16 : i32
      %add3A_297 = vector.broadcast %add3A_296 : i32 to vector<16xi32>
      %add3A_298 = arith.addi %xor3A_292, %add3A_297 : vector<16xi32>
      %select_n3A_299 = arith.select %lt3A_295, %add3A_298, %xor3A_292 : vector<16xi1>, vector<16xi32>
      %broadcast_in_dim3A_300 = vector.shape_cast %select_n3A_299 : vector<16xi32> to vector<16x1xi32>
      %gather3A_301 = vector.shape_cast %broadcast_in_dim3A_300 : vector<16x1xi32> to vector<16xi32>
      %gather3A_302 = tpu.dynamic_gather %max3A_289[%gather3A_301] in [0] : vector<16xf32>, vector<16xi32> -> vector<16xf32>
      %max3A_303 = arith.maximumf %max3A_289, %gather3A_302 : vector<16xf32>
      %eq3A_304 = arith.cmpf oeq, %bitcast3A_247, %max3A_303 : vector<16xf32>
      %jit3A_305 = arith.constant 2147483647 : i32
      %broadcast_in_dim3A_306 = vector.broadcast %jit3A_305 : i32 to vector<16xi32>
      %select_n3A_307 = arith.select %eq3A_304, %iota3A, %broadcast_in_dim3A_306 : vector<16xi1>, vector<16xi32>
      %xor3A_308 = arith.constant 8 : i32
      %xor3A_309 = vector.broadcast %xor3A_308 : i32 to vector<16xi32>
      %xor3A_310 = arith.xori %iota3A, %xor3A_309 : vector<16xi32>
      %lt3A_311 = arith.constant 0 : i32
      %lt3A_312 = vector.broadcast %lt3A_311 : i32 to vector<16xi32>
      %lt3A_313 = arith.cmpi slt, %xor3A_310, %lt3A_312 : vector<16xi32>
      %add3A_314 = arith.constant 16 : i32
      %add3A_315 = vector.broadcast %add3A_314 : i32 to vector<16xi32>
      %add3A_316 = arith.addi %xor3A_310, %add3A_315 : vector<16xi32>
      %select_n3A_317 = arith.select %lt3A_313, %add3A_316, %xor3A_310 : vector<16xi1>, vector<16xi32>
      %broadcast_in_dim3A_318 = vector.shape_cast %select_n3A_317 : vector<16xi32> to vector<16x1xi32>
      %gather3A_319 = vector.shape_cast %broadcast_in_dim3A_318 : vector<16x1xi32> to vector<16xi32>
      %gather3A_320 = tpu.dynamic_gather %select_n3A_307[%gather3A_319] in [0] : vector<16xi32>, vector<16xi32> -> vector<16xi32>
      %min3A_321 = arith.minsi %select_n3A_307, %gather3A_320 : vector<16xi32>
      %xor3A_322 = arith.constant 4 : i32
      %xor3A_323 = vector.broadcast %xor3A_322 : i32 to vector<16xi32>
      %xor3A_324 = arith.xori %iota3A, %xor3A_323 : vector<16xi32>
      %lt3A_325 = arith.constant 0 : i32
      %lt3A_326 = vector.broadcast %lt3A_325 : i32 to vector<16xi32>
      %lt3A_327 = arith.cmpi slt, %xor3A_324, %lt3A_326 : vector<16xi32>
      %add3A_328 = arith.constant 16 : i32
      %add3A_329 = vector.broadcast %add3A_328 : i32 to vector<16xi32>
      %add3A_330 = arith.addi %xor3A_324, %add3A_329 : vector<16xi32>
      %select_n3A_331 = arith.select %lt3A_327, %add3A_330, %xor3A_324 : vector<16xi1>, vector<16xi32>
      %broadcast_in_dim3A_332 = vector.shape_cast %select_n3A_331 : vector<16xi32> to vector<16x1xi32>
      %gather3A_333 = vector.shape_cast %broadcast_in_dim3A_332 : vector<16x1xi32> to vector<16xi32>
      %gather3A_334 = tpu.dynamic_gather %min3A_321[%gather3A_333] in [0] : vector<16xi32>, vector<16xi32> -> vector<16xi32>
      %min3A_335 = arith.minsi %min3A_321, %gather3A_334 : vector<16xi32>
      %xor3A_336 = arith.constant 2 : i32
      %xor3A_337 = vector.broadcast %xor3A_336 : i32 to vector<16xi32>
      %xor3A_338 = arith.xori %iota3A, %xor3A_337 : vector<16xi32>
      %lt3A_339 = arith.constant 0 : i32
      %lt3A_340 = vector.broadcast %lt3A_339 : i32 to vector<16xi32>
      %lt3A_341 = arith.cmpi slt, %xor3A_338, %lt3A_340 : vector<16xi32>
      %add3A_342 = arith.constant 16 : i32
      %add3A_343 = vector.broadcast %add3A_342 : i32 to vector<16xi32>
      %add3A_344 = arith.addi %xor3A_338, %add3A_343 : vector<16xi32>
      %select_n3A_345 = arith.select %lt3A_341, %add3A_344, %xor3A_338 : vector<16xi1>, vector<16xi32>
      %broadcast_in_dim3A_346 = vector.shape_cast %select_n3A_345 : vector<16xi32> to vector<16x1xi32>
      %gather3A_347 = vector.shape_cast %broadcast_in_dim3A_346 : vector<16x1xi32> to vector<16xi32>
      %gather3A_348 = tpu.dynamic_gather %min3A_335[%gather3A_347] in [0] : vector<16xi32>, vector<16xi32> -> vector<16xi32>
      %min3A_349 = arith.minsi %min3A_335, %gather3A_348 : vector<16xi32>
      %xor3A_350 = arith.constant 1 : i32
      %xor3A_351 = vector.broadcast %xor3A_350 : i32 to vector<16xi32>
      %xor3A_352 = arith.xori %iota3A, %xor3A_351 : vector<16xi32>
      %lt3A_353 = arith.constant 0 : i32
      %lt3A_354 = vector.broadcast %lt3A_353 : i32 to vector<16xi32>
      %lt3A_355 = arith.cmpi slt, %xor3A_352, %lt3A_354 : vector<16xi32>
      %add3A_356 = arith.constant 16 : i32
      %add3A_357 = vector.broadcast %add3A_356 : i32 to vector<16xi32>
      %add3A_358 = arith.addi %xor3A_352, %add3A_357 : vector<16xi32>
      %select_n3A_359 = arith.select %lt3A_355, %add3A_358, %xor3A_352 : vector<16xi1>, vector<16xi32>
      %broadcast_in_dim3A_360 = vector.shape_cast %select_n3A_359 : vector<16xi32> to vector<16x1xi32>
      %gather3A_361 = vector.shape_cast %broadcast_in_dim3A_360 : vector<16x1xi32> to vector<16xi32>
      %gather3A_362 = tpu.dynamic_gather %min3A_349[%gather3A_361] in [0] : vector<16xi32>, vector<16xi32> -> vector<16xi32>
      %min3A_363 = arith.minsi %min3A_349, %gather3A_362 : vector<16xi32>
      %slice3A_364 = vector.extract_strided_slice %min3A_363 {offsets = [0], sizes = [1], strides = [1]} : vector<16xi32> to vector<1xi32>
      %squeeze3A_365 = vector.extract %slice3A_364[0] : i32 from vector<1xi32>
      %add3A_366 = arith.constant 1 : i32
      %add3A_367 = arith.addi %mul3A_212, %add3A_366 : i32
      %add3A_368 = arith.addi %mul3A_58, %squeeze3A_365 : i32
      %sc_fetch_and_add3A_369 = arith.constant 0 : i32
      %sc_fetch_and_add3A_370 = tpu.fetch_and_add_sync %arg22[%add3A_367], %sc_fetch_and_add3A_369, %add3A_368 : memref<8xi32, #tpu.memory_space<smem>>, i32 -> i32
      %broadcast_in_dim3A_371 = vector.broadcast %sc_fetch_and_add3A_370 : i32 to vector<16xi32>
      %gt3A = arith.constant 0xFF800000 : f32
      %gt3A_372 = vector.broadcast %gt3A : f32 to vector<16xf32>
      %gt3A_373 = arith.cmpf ogt, %max3A_303, %gt3A_372 : vector<16xf32>
      %gather3A_374 = tpu.vector_load_idx %arg10[%broadcast_in_dim3A_371] : memref<5376xf32, #tpu.memory_space<vmem>>[vector<16xi32>], vector<16xf32>,
      %gather3A_375 = tpu.vector_load_idx %arg11[%broadcast_in_dim3A_371] : memref<5376xf32, #tpu.memory_space<vmem>>[vector<16xi32>], vector<16xf32>,
      %gather3A_376 = tpu.vector_load_idx %arg12[%broadcast_in_dim3A_371] : memref<5376xf32, #tpu.memory_space<vmem>>[vector<16xi32>], vector<16xf32>,
      %gather3A_377 = tpu.vector_load_idx %arg13[%broadcast_in_dim3A_371] : memref<5376xf32, #tpu.memory_space<vmem>>[vector<16xi32>], vector<16xf32>,
      %gather3A_378 = tpu.vector_load_idx %arg14[%broadcast_in_dim3A_371] : memref<5376xf32, #tpu.memory_space<vmem>>[vector<16xi32>], vector<16xf32>,
      %jit3A_379 = arith.constant 1.000000e+30 : f32
      %broadcast_in_dim3A_380 = vector.broadcast %jit3A_379 : f32 to vector<16xf32>
      %select_n3A_381 = arith.select %gt3A_373, %gather3A_374, %broadcast_in_dim3A_380 : vector<16xi1>, vector<16xf32>
      %jit3A_382 = arith.constant 1.000000e+30 : f32
      %broadcast_in_dim3A_383 = vector.broadcast %jit3A_382 : f32 to vector<16xf32>
      %select_n3A_384 = arith.select %gt3A_373, %gather3A_375, %broadcast_in_dim3A_383 : vector<16xi1>, vector<16xf32>
      %jit3A_385 = arith.constant -1.000000e+30 : f32
      %broadcast_in_dim3A_386 = vector.broadcast %jit3A_385 : f32 to vector<16xf32>
      %select_n3A_387 = arith.select %gt3A_373, %gather3A_376, %broadcast_in_dim3A_386 : vector<16xi1>, vector<16xf32>
      %jit3A_388 = arith.constant -1.000000e+30 : f32
      %broadcast_in_dim3A_389 = vector.broadcast %jit3A_388 : f32 to vector<16xf32>
      %select_n3A_390 = arith.select %gt3A_373, %gather3A_377, %broadcast_in_dim3A_389 : vector<16xi1>, vector<16xf32>
      %jit3A_391 = arith.constant 0.000000e+00 : f32
      %broadcast_in_dim3A_392 = vector.broadcast %jit3A_391 : f32 to vector<16xf32>
      %select_n3A_393 = arith.select %gt3A_373, %gather3A_378, %broadcast_in_dim3A_392 : vector<16xi1>, vector<16xf32>
      %mul3A_394 = arith.constant 0.411764711 : f32
      %mul3A_395 = vector.broadcast %mul3A_394 : f32 to vector<16xf32>
      %mul3A_396 = arith.mulf %select_n3A_393, %mul3A_395 : vector<16xf32>
      tpu.vector_store_idx %arg15[%broadcast_in_dim3A_371], %broadcast_in_dim3A_67 : memref<5376xf32, #tpu.memory_space<vmem>>[vector<16xi32>], vector<16xf32>,
      %scan3A_397 = arith.constant 0 : i32
      %scan3A_398 = arith.constant 14 : i32
      %scan3A_399 = arith.addi %scan3A_397, %scan3A_398 : i32
      %scan3A_400 = arith.constant 1 : i32
      %scan3A_401:2 = scf.for %scan3A_408 = %scan3A_397 to %scan3A_399 step %scan3A_400 iter_args(%scan3A_409 = %broadcast_in_dim3A_67, %scan3A_410 = %broadcast_in_dim3A_69) -> (vector<16xf32>, vector<16xi32>)  : i32 {
        %mul3A_411 = arith.constant 96 : i32
        %mul3A_412 = arith.muli %scan3A_408, %mul3A_411 : i32
        %add3A_413 = arith.addi %mul3A_32, %mul3A_412 : i32
        %add3A_414 = arith.constant 0 : i32
        %add3A_415 = arith.addi %add3A_413, %add3A_414 : i32
        %get3A = arith.index_cast %add3A_415 : i32 to index
        %get3A_416 = tpu.vector_load %arg12[%get3A] {strides = array<i32>} : memref<5376xf32, #tpu.memory_space<vmem>>, vector<16xf32>,
        %min3A_417 = arith.minimumf %select_n3A_387, %get3A_416 : vector<16xf32>
        %get3A_418 = arith.index_cast %add3A_415 : i32 to index
        %get3A_419 = tpu.vector_load %arg10[%get3A_418] {strides = array<i32>} : memref<5376xf32, #tpu.memory_space<vmem>>, vector<16xf32>,
        %max3A_420 = arith.maximumf %select_n3A_381, %get3A_419 : vector<16xf32>
        %sub3A_421 = arith.subf %min3A_417, %max3A_420 : vector<16xf32>
        %max3A_422 = arith.constant 0.000000e+00 : f32
        %max3A_423 = vector.broadcast %max3A_422 : f32 to vector<16xf32>
        %max3A_424 = arith.maximumf %sub3A_421, %max3A_423 : vector<16xf32>
        %get3A_425 = arith.index_cast %add3A_415 : i32 to index
        %get3A_426 = tpu.vector_load %arg13[%get3A_425] {strides = array<i32>} : memref<5376xf32, #tpu.memory_space<vmem>>, vector<16xf32>,
        %min3A_427 = arith.minimumf %select_n3A_390, %get3A_426 : vector<16xf32>
        %get3A_428 = arith.index_cast %add3A_415 : i32 to index
        %get3A_429 = tpu.vector_load %arg11[%get3A_428] {strides = array<i32>} : memref<5376xf32, #tpu.memory_space<vmem>>, vector<16xf32>,
        %max3A_430 = arith.maximumf %select_n3A_384, %get3A_429 : vector<16xf32>
        %sub3A_431 = arith.subf %min3A_427, %max3A_430 : vector<16xf32>
        %max3A_432 = arith.constant 0.000000e+00 : f32
        %max3A_433 = vector.broadcast %max3A_432 : f32 to vector<16xf32>
        %max3A_434 = arith.maximumf %sub3A_431, %max3A_433 : vector<16xf32>
        %mul3A_435 = arith.mulf %max3A_424, %max3A_434 : vector<16xf32>
        %get3A_436 = arith.index_cast %add3A_415 : i32 to index
        %get3A_437 = tpu.vector_load %arg21[%get3A_436] {strides = array<i32>} : memref<5376xf32, #tpu.memory_space<vmem>>, vector<16xf32>,
        %add3A_438 = arith.addf %mul3A_396, %get3A_437 : vector<16xf32>
        %gt3A_439 = arith.cmpf ogt, %mul3A_435, %add3A_438 : vector<16xf32>
        %get3A_440 = arith.index_cast %add3A_415 : i32 to index
        %get3A_441 = tpu.vector_load %arg15[%get3A_440] {strides = array<i32>} : memref<5376xf32, #tpu.memory_space<vmem>>, vector<16xf32>,
        %jit3A_442 = arith.constant 0xFF800000 : f32
        %broadcast_in_dim3A_443 = vector.broadcast %jit3A_442 : f32 to vector<16xf32>
        %select_n3A_444 = arith.select %gt3A_439, %broadcast_in_dim3A_443, %get3A_441 : vector<16xi1>, vector<16xf32>
        %swap3A_445 = arith.index_cast %add3A_415 : i32 to index
        %swap3A_446 = tpu.vector_load %arg15[%swap3A_445] {strides = array<i32>} : memref<5376xf32, #tpu.memory_space<vmem>>, vector<16xf32>,
        tpu.vector_store %arg15[%swap3A_445], %select_n3A_444 {strides = array<i32>} : memref<5376xf32, #tpu.memory_space<vmem>>, vector<16xf32>,
        %add3A_447 = vector.broadcast %add3A_415 : i32 to vector<16xi32>
        %add3A_448 = arith.addi %iota3A, %add3A_447 : vector<16xi32>
        %gt3A_449 = arith.cmpf ogt, %select_n3A_444, %scan3A_409 : vector<16xf32>
        %select_n3A_450 = arith.select %gt3A_449, %select_n3A_444, %scan3A_409 : vector<16xi1>, vector<16xf32>
        %select_n3A_451 = arith.select %gt3A_449, %add3A_448, %scan3A_410 : vector<16xi1>, vector<16xi32>
        %add3A_452 = arith.addi %mul3A_32, %mul3A_412 : i32
        %add3A_453 = arith.constant 16 : i32
        %add3A_454 = arith.addi %add3A_452, %add3A_453 : i32
        %get3A_455 = arith.index_cast %add3A_454 : i32 to index
        %get3A_456 = tpu.vector_load %arg12[%get3A_455] {strides = array<i32>} : memref<5376xf32, #tpu.memory_space<vmem>>, vector<16xf32>,
        %min3A_457 = arith.minimumf %select_n3A_387, %get3A_456 : vector<16xf32>
        %get3A_458 = arith.index_cast %add3A_454 : i32 to index
        %get3A_459 = tpu.vector_load %arg10[%get3A_458] {strides = array<i32>} : memref<5376xf32, #tpu.memory_space<vmem>>, vector<16xf32>,
        %max3A_460 = arith.maximumf %select_n3A_381, %get3A_459 : vector<16xf32>
        %sub3A_461 = arith.subf %min3A_457, %max3A_460 : vector<16xf32>
        %max3A_462 = arith.constant 0.000000e+00 : f32
        %max3A_463 = vector.broadcast %max3A_462 : f32 to vector<16xf32>
        %max3A_464 = arith.maximumf %sub3A_461, %max3A_463 : vector<16xf32>
        %get3A_465 = arith.index_cast %add3A_454 : i32 to index
        %get3A_466 = tpu.vector_load %arg13[%get3A_465] {strides = array<i32>} : memref<5376xf32, #tpu.memory_space<vmem>>, vector<16xf32>,
        %min3A_467 = arith.minimumf %select_n3A_390, %get3A_466 : vector<16xf32>
        %get3A_468 = arith.index_cast %add3A_454 : i32 to index
        %get3A_469 = tpu.vector_load %arg11[%get3A_468] {strides = array<i32>} : memref<5376xf32, #tpu.memory_space<vmem>>, vector<16xf32>,
        %max3A_470 = arith.maximumf %select_n3A_384, %get3A_469 : vector<16xf32>
        %sub3A_471 = arith.subf %min3A_467, %max3A_470 : vector<16xf32>
        %max3A_472 = arith.constant 0.000000e+00 : f32
        %max3A_473 = vector.broadcast %max3A_472 : f32 to vector<16xf32>
        %max3A_474 = arith.maximumf %sub3A_471, %max3A_473 : vector<16xf32>
        %mul3A_475 = arith.mulf %max3A_464, %max3A_474 : vector<16xf32>
        %get3A_476 = arith.index_cast %add3A_454 : i32 to index
        %get3A_477 = tpu.vector_load %arg21[%get3A_476] {strides = array<i32>} : memref<5376xf32, #tpu.memory_space<vmem>>, vector<16xf32>,
        %add3A_478 = arith.addf %mul3A_396, %get3A_477 : vector<16xf32>
        %gt3A_479 = arith.cmpf ogt, %mul3A_475, %add3A_478 : vector<16xf32>
        %get3A_480 = arith.index_cast %add3A_454 : i32 to index
        %get3A_481 = tpu.vector_load %arg15[%get3A_480] {strides = array<i32>} : memref<5376xf32, #tpu.memory_space<vmem>>, vector<16xf32>,
        %jit3A_482 = arith.constant 0xFF800000 : f32
        %broadcast_in_dim3A_483 = vector.broadcast %jit3A_482 : f32 to vector<16xf32>
        %select_n3A_484 = arith.select %gt3A_479, %broadcast_in_dim3A_483, %get3A_481 : vector<16xi1>, vector<16xf32>
        %swap3A_485 = arith.index_cast %add3A_454 : i32 to index
        %swap3A_486 = tpu.vector_load %arg15[%swap3A_485] {strides = array<i32>} : memref<5376xf32, #tpu.memory_space<vmem>>, vector<16xf32>,
        tpu.vector_store %arg15[%swap3A_485], %select_n3A_484 {strides = array<i32>} : memref<5376xf32, #tpu.memory_space<vmem>>, vector<16xf32>,
        %add3A_487 = vector.broadcast %add3A_454 : i32 to vector<16xi32>
        %add3A_488 = arith.addi %iota3A, %add3A_487 : vector<16xi32>
        %gt3A_489 = arith.cmpf ogt, %select_n3A_484, %select_n3A_450 : vector<16xf32>
        %select_n3A_490 = arith.select %gt3A_489, %select_n3A_484, %select_n3A_450 : vector<16xi1>, vector<16xf32>
        %select_n3A_491 = arith.select %gt3A_489, %add3A_488, %select_n3A_451 : vector<16xi1>, vector<16xi32>
        %add3A_492 = arith.addi %mul3A_32, %mul3A_412 : i32
        %add3A_493 = arith.constant 32 : i32
        %add3A_494 = arith.addi %add3A_492, %add3A_493 : i32
        %get3A_495 = arith.index_cast %add3A_494 : i32 to index
        %get3A_496 = tpu.vector_load %arg12[%get3A_495] {strides = array<i32>} : memref<5376xf32, #tpu.memory_space<vmem>>, vector<16xf32>,
        %min3A_497 = arith.minimumf %select_n3A_387, %get3A_496 : vector<16xf32>
        %get3A_498 = arith.index_cast %add3A_494 : i32 to index
        %get3A_499 = tpu.vector_load %arg10[%get3A_498] {strides = array<i32>} : memref<5376xf32, #tpu.memory_space<vmem>>, vector<16xf32>,
        %max3A_500 = arith.maximumf %select_n3A_381, %get3A_499 : vector<16xf32>
        %sub3A_501 = arith.subf %min3A_497, %max3A_500 : vector<16xf32>
        %max3A_502 = arith.constant 0.000000e+00 : f32
        %max3A_503 = vector.broadcast %max3A_502 : f32 to vector<16xf32>
        %max3A_504 = arith.maximumf %sub3A_501, %max3A_503 : vector<16xf32>
        %get3A_505 = arith.index_cast %add3A_494 : i32 to index
        %get3A_506 = tpu.vector_load %arg13[%get3A_505] {strides = array<i32>} : memref<5376xf32, #tpu.memory_space<vmem>>, vector<16xf32>,
        %min3A_507 = arith.minimumf %select_n3A_390, %get3A_506 : vector<16xf32>
        %get3A_508 = arith.index_cast %add3A_494 : i32 to index
        %get3A_509 = tpu.vector_load %arg11[%get3A_508] {strides = array<i32>} : memref<5376xf32, #tpu.memory_space<vmem>>, vector<16xf32>,
        %max3A_510 = arith.maximumf %select_n3A_384, %get3A_509 : vector<16xf32>
        %sub3A_511 = arith.subf %min3A_507, %max3A_510 : vector<16xf32>
        %max3A_512 = arith.constant 0.000000e+00 : f32
        %max3A_513 = vector.broadcast %max3A_512 : f32 to vector<16xf32>
        %max3A_514 = arith.maximumf %sub3A_511, %max3A_513 : vector<16xf32>
        %mul3A_515 = arith.mulf %max3A_504, %max3A_514 : vector<16xf32>
        %get3A_516 = arith.index_cast %add3A_494 : i32 to index
        %get3A_517 = tpu.vector_load %arg21[%get3A_516] {strides = array<i32>} : memref<5376xf32, #tpu.memory_space<vmem>>, vector<16xf32>,
        %add3A_518 = arith.addf %mul3A_396, %get3A_517 : vector<16xf32>
        %gt3A_519 = arith.cmpf ogt, %mul3A_515, %add3A_518 : vector<16xf32>
        %get3A_520 = arith.index_cast %add3A_494 : i32 to index
        %get3A_521 = tpu.vector_load %arg15[%get3A_520] {strides = array<i32>} : memref<5376xf32, #tpu.memory_space<vmem>>, vector<16xf32>,
        %jit3A_522 = arith.constant 0xFF800000 : f32
        %broadcast_in_dim3A_523 = vector.broadcast %jit3A_522 : f32 to vector<16xf32>
        %select_n3A_524 = arith.select %gt3A_519, %broadcast_in_dim3A_523, %get3A_521 : vector<16xi1>, vector<16xf32>
        %swap3A_525 = arith.index_cast %add3A_494 : i32 to index
        %swap3A_526 = tpu.vector_load %arg15[%swap3A_525] {strides = array<i32>} : memref<5376xf32, #tpu.memory_space<vmem>>, vector<16xf32>,
        tpu.vector_store %arg15[%swap3A_525], %select_n3A_524 {strides = array<i32>} : memref<5376xf32, #tpu.memory_space<vmem>>, vector<16xf32>,
        %add3A_527 = vector.broadcast %add3A_494 : i32 to vector<16xi32>
        %add3A_528 = arith.addi %iota3A, %add3A_527 : vector<16xi32>
        %gt3A_529 = arith.cmpf ogt, %select_n3A_524, %select_n3A_490 : vector<16xf32>
        %select_n3A_530 = arith.select %gt3A_529, %select_n3A_524, %select_n3A_490 : vector<16xi1>, vector<16xf32>
        %select_n3A_531 = arith.select %gt3A_529, %add3A_528, %select_n3A_491 : vector<16xi1>, vector<16xi32>
        %add3A_532 = arith.addi %mul3A_32, %mul3A_412 : i32
        %add3A_533 = arith.constant 48 : i32
        %add3A_534 = arith.addi %add3A_532, %add3A_533 : i32
        %get3A_535 = arith.index_cast %add3A_534 : i32 to index
        %get3A_536 = tpu.vector_load %arg12[%get3A_535] {strides = array<i32>} : memref<5376xf32, #tpu.memory_space<vmem>>, vector<16xf32>,
        %min3A_537 = arith.minimumf %select_n3A_387, %get3A_536 : vector<16xf32>
        %get3A_538 = arith.index_cast %add3A_534 : i32 to index
        %get3A_539 = tpu.vector_load %arg10[%get3A_538] {strides = array<i32>} : memref<5376xf32, #tpu.memory_space<vmem>>, vector<16xf32>,
        %max3A_540 = arith.maximumf %select_n3A_381, %get3A_539 : vector<16xf32>
        %sub3A_541 = arith.subf %min3A_537, %max3A_540 : vector<16xf32>
        %max3A_542 = arith.constant 0.000000e+00 : f32
        %max3A_543 = vector.broadcast %max3A_542 : f32 to vector<16xf32>
        %max3A_544 = arith.maximumf %sub3A_541, %max3A_543 : vector<16xf32>
        %get3A_545 = arith.index_cast %add3A_534 : i32 to index
        %get3A_546 = tpu.vector_load %arg13[%get3A_545] {strides = array<i32>} : memref<5376xf32, #tpu.memory_space<vmem>>, vector<16xf32>,
        %min3A_547 = arith.minimumf %select_n3A_390, %get3A_546 : vector<16xf32>
        %get3A_548 = arith.index_cast %add3A_534 : i32 to index
        %get3A_549 = tpu.vector_load %arg11[%get3A_548] {strides = array<i32>} : memref<5376xf32, #tpu.memory_space<vmem>>, vector<16xf32>,
        %max3A_550 = arith.maximumf %select_n3A_384, %get3A_549 : vector<16xf32>
        %sub3A_551 = arith.subf %min3A_547, %max3A_550 : vector<16xf32>
        %max3A_552 = arith.constant 0.000000e+00 : f32
        %max3A_553 = vector.broadcast %max3A_552 : f32 to vector<16xf32>
        %max3A_554 = arith.maximumf %sub3A_551, %max3A_553 : vector<16xf32>
        %mul3A_555 = arith.mulf %max3A_544, %max3A_554 : vector<16xf32>
        %get3A_556 = arith.index_cast %add3A_534 : i32 to index
        %get3A_557 = tpu.vector_load %arg21[%get3A_556] {strides = array<i32>} : memref<5376xf32, #tpu.memory_space<vmem>>, vector<16xf32>,
        %add3A_558 = arith.addf %mul3A_396, %get3A_557 : vector<16xf32>
        %gt3A_559 = arith.cmpf ogt, %mul3A_555, %add3A_558 : vector<16xf32>
        %get3A_560 = arith.index_cast %add3A_534 : i32 to index
        %get3A_561 = tpu.vector_load %arg15[%get3A_560] {strides = array<i32>} : memref<5376xf32, #tpu.memory_space<vmem>>, vector<16xf32>,
        %jit3A_562 = arith.constant 0xFF800000 : f32
        %broadcast_in_dim3A_563 = vector.broadcast %jit3A_562 : f32 to vector<16xf32>
        %select_n3A_564 = arith.select %gt3A_559, %broadcast_in_dim3A_563, %get3A_561 : vector<16xi1>, vector<16xf32>
        %swap3A_565 = arith.index_cast %add3A_534 : i32 to index
        %swap3A_566 = tpu.vector_load %arg15[%swap3A_565] {strides = array<i32>} : memref<5376xf32, #tpu.memory_space<vmem>>, vector<16xf32>,
        tpu.vector_store %arg15[%swap3A_565], %select_n3A_564 {strides = array<i32>} : memref<5376xf32, #tpu.memory_space<vmem>>, vector<16xf32>,
        %add3A_567 = vector.broadcast %add3A_534 : i32 to vector<16xi32>
        %add3A_568 = arith.addi %iota3A, %add3A_567 : vector<16xi32>
        %gt3A_569 = arith.cmpf ogt, %select_n3A_564, %select_n3A_530 : vector<16xf32>
        %select_n3A_570 = arith.select %gt3A_569, %select_n3A_564, %select_n3A_530 : vector<16xi1>, vector<16xf32>
        %select_n3A_571 = arith.select %gt3A_569, %add3A_568, %select_n3A_531 : vector<16xi1>, vector<16xi32>
        %add3A_572 = arith.addi %mul3A_32, %mul3A_412 : i32
        %add3A_573 = arith.constant 64 : i32
        %add3A_574 = arith.addi %add3A_572, %add3A_573 : i32
        %get3A_575 = arith.index_cast %add3A_574 : i32 to index
        %get3A_576 = tpu.vector_load %arg12[%get3A_575] {strides = array<i32>} : memref<5376xf32, #tpu.memory_space<vmem>>, vector<16xf32>,
        %min3A_577 = arith.minimumf %select_n3A_387, %get3A_576 : vector<16xf32>
        %get3A_578 = arith.index_cast %add3A_574 : i32 to index
        %get3A_579 = tpu.vector_load %arg10[%get3A_578] {strides = array<i32>} : memref<5376xf32, #tpu.memory_space<vmem>>, vector<16xf32>,
        %max3A_580 = arith.maximumf %select_n3A_381, %get3A_579 : vector<16xf32>
        %sub3A_581 = arith.subf %min3A_577, %max3A_580 : vector<16xf32>
        %max3A_582 = arith.constant 0.000000e+00 : f32
        %max3A_583 = vector.broadcast %max3A_582 : f32 to vector<16xf32>
        %max3A_584 = arith.maximumf %sub3A_581, %max3A_583 : vector<16xf32>
        %get3A_585 = arith.index_cast %add3A_574 : i32 to index
        %get3A_586 = tpu.vector_load %arg13[%get3A_585] {strides = array<i32>} : memref<5376xf32, #tpu.memory_space<vmem>>, vector<16xf32>,
        %min3A_587 = arith.minimumf %select_n3A_390, %get3A_586 : vector<16xf32>
        %get3A_588 = arith.index_cast %add3A_574 : i32 to index
        %get3A_589 = tpu.vector_load %arg11[%get3A_588] {strides = array<i32>} : memref<5376xf32, #tpu.memory_space<vmem>>, vector<16xf32>,
        %max3A_590 = arith.maximumf %select_n3A_384, %get3A_589 : vector<16xf32>
        %sub3A_591 = arith.subf %min3A_587, %max3A_590 : vector<16xf32>
        %max3A_592 = arith.constant 0.000000e+00 : f32
        %max3A_593 = vector.broadcast %max3A_592 : f32 to vector<16xf32>
        %max3A_594 = arith.maximumf %sub3A_591, %max3A_593 : vector<16xf32>
        %mul3A_595 = arith.mulf %max3A_584, %max3A_594 : vector<16xf32>
        %get3A_596 = arith.index_cast %add3A_574 : i32 to index
        %get3A_597 = tpu.vector_load %arg21[%get3A_596] {strides = array<i32>} : memref<5376xf32, #tpu.memory_space<vmem>>, vector<16xf32>,
        %add3A_598 = arith.addf %mul3A_396, %get3A_597 : vector<16xf32>
        %gt3A_599 = arith.cmpf ogt, %mul3A_595, %add3A_598 : vector<16xf32>
        %get3A_600 = arith.index_cast %add3A_574 : i32 to index
        %get3A_601 = tpu.vector_load %arg15[%get3A_600] {strides = array<i32>} : memref<5376xf32, #tpu.memory_space<vmem>>, vector<16xf32>,
        %jit3A_602 = arith.constant 0xFF800000 : f32
        %broadcast_in_dim3A_603 = vector.broadcast %jit3A_602 : f32 to vector<16xf32>
        %select_n3A_604 = arith.select %gt3A_599, %broadcast_in_dim3A_603, %get3A_601 : vector<16xi1>, vector<16xf32>
        %swap3A_605 = arith.index_cast %add3A_574 : i32 to index
        %swap3A_606 = tpu.vector_load %arg15[%swap3A_605] {strides = array<i32>} : memref<5376xf32, #tpu.memory_space<vmem>>, vector<16xf32>,
        tpu.vector_store %arg15[%swap3A_605], %select_n3A_604 {strides = array<i32>} : memref<5376xf32, #tpu.memory_space<vmem>>, vector<16xf32>,
        %add3A_607 = vector.broadcast %add3A_574 : i32 to vector<16xi32>
        %add3A_608 = arith.addi %iota3A, %add3A_607 : vector<16xi32>
        %gt3A_609 = arith.cmpf ogt, %select_n3A_604, %select_n3A_570 : vector<16xf32>
        %select_n3A_610 = arith.select %gt3A_609, %select_n3A_604, %select_n3A_570 : vector<16xi1>, vector<16xf32>
        %select_n3A_611 = arith.select %gt3A_609, %add3A_608, %select_n3A_571 : vector<16xi1>, vector<16xi32>
        %add3A_612 = arith.addi %mul3A_32, %mul3A_412 : i32
        %add3A_613 = arith.constant 80 : i32
        %add3A_614 = arith.addi %add3A_612, %add3A_613 : i32
        %get3A_615 = arith.index_cast %add3A_614 : i32 to index
        %get3A_616 = tpu.vector_load %arg12[%get3A_615] {strides = array<i32>} : memref<5376xf32, #tpu.memory_space<vmem>>, vector<16xf32>,
        %min3A_617 = arith.minimumf %select_n3A_387, %get3A_616 : vector<16xf32>
        %get3A_618 = arith.index_cast %add3A_614 : i32 to index
        %get3A_619 = tpu.vector_load %arg10[%get3A_618] {strides = array<i32>} : memref<5376xf32, #tpu.memory_space<vmem>>, vector<16xf32>,
        %max3A_620 = arith.maximumf %select_n3A_381, %get3A_619 : vector<16xf32>
        %sub3A_621 = arith.subf %min3A_617, %max3A_620 : vector<16xf32>
        %max3A_622 = arith.constant 0.000000e+00 : f32
        %max3A_623 = vector.broadcast %max3A_622 : f32 to vector<16xf32>
        %max3A_624 = arith.maximumf %sub3A_621, %max3A_623 : vector<16xf32>
        %get3A_625 = arith.index_cast %add3A_614 : i32 to index
        %get3A_626 = tpu.vector_load %arg13[%get3A_625] {strides = array<i32>} : memref<5376xf32, #tpu.memory_space<vmem>>, vector<16xf32>,
        %min3A_627 = arith.minimumf %select_n3A_390, %get3A_626 : vector<16xf32>
        %get3A_628 = arith.index_cast %add3A_614 : i32 to index
        %get3A_629 = tpu.vector_load %arg11[%get3A_628] {strides = array<i32>} : memref<5376xf32, #tpu.memory_space<vmem>>, vector<16xf32>,
        %max3A_630 = arith.maximumf %select_n3A_384, %get3A_629 : vector<16xf32>
        %sub3A_631 = arith.subf %min3A_627, %max3A_630 : vector<16xf32>
        %max3A_632 = arith.constant 0.000000e+00 : f32
        %max3A_633 = vector.broadcast %max3A_632 : f32 to vector<16xf32>
        %max3A_634 = arith.maximumf %sub3A_631, %max3A_633 : vector<16xf32>
        %mul3A_635 = arith.mulf %max3A_624, %max3A_634 : vector<16xf32>
        %get3A_636 = arith.index_cast %add3A_614 : i32 to index
        %get3A_637 = tpu.vector_load %arg21[%get3A_636] {strides = array<i32>} : memref<5376xf32, #tpu.memory_space<vmem>>, vector<16xf32>,
        %add3A_638 = arith.addf %mul3A_396, %get3A_637 : vector<16xf32>
        %gt3A_639 = arith.cmpf ogt, %mul3A_635, %add3A_638 : vector<16xf32>
        %get3A_640 = arith.index_cast %add3A_614 : i32 to index
        %get3A_641 = tpu.vector_load %arg15[%get3A_640] {strides = array<i32>} : memref<5376xf32, #tpu.memory_space<vmem>>, vector<16xf32>,
        %jit3A_642 = arith.constant 0xFF800000 : f32
        %broadcast_in_dim3A_643 = vector.broadcast %jit3A_642 : f32 to vector<16xf32>
        %select_n3A_644 = arith.select %gt3A_639, %broadcast_in_dim3A_643, %get3A_641 : vector<16xi1>, vector<16xf32>
        %swap3A_645 = arith.index_cast %add3A_614 : i32 to index
        %swap3A_646 = tpu.vector_load %arg15[%swap3A_645] {strides = array<i32>} : memref<5376xf32, #tpu.memory_space<vmem>>, vector<16xf32>,
        tpu.vector_store %arg15[%swap3A_645], %select_n3A_644 {strides = array<i32>} : memref<5376xf32, #tpu.memory_space<vmem>>, vector<16xf32>,
        %add3A_647 = vector.broadcast %add3A_614 : i32 to vector<16xi32>
        %add3A_648 = arith.addi %iota3A, %add3A_647 : vector<16xi32>
        %gt3A_649 = arith.cmpf ogt, %select_n3A_644, %select_n3A_610 : vector<16xf32>
        %select_n3A_650 = arith.select %gt3A_649, %select_n3A_644, %select_n3A_610 : vector<16xi1>, vector<16xf32>
        %select_n3A_651 = arith.select %gt3A_649, %add3A_648, %select_n3A_611 : vector<16xi1>, vector<16xi32>
        scf.yield %select_n3A_650, %select_n3A_651 : vector<16xf32>, vector<16xi32>
      }
      %scan3A_402 = arith.constant 14 : i32
      %eq3A_403 = arith.constant 0 : i32
      %eq3A_404 = arith.cmpi eq, %select_n3A_30, %eq3A_403 : i32
      %convert_element_type3A_405 = arith.extui %eq3A_404 : i1 to i32
      %cond3A_406 = arith.constant 0 : i32
      %cond3A_407 = arith.cmpi ne, %convert_element_type3A_405, %cond3A_406 : i32
      scf.if %cond3A_407 {
        %gather3A_408 = tpu.vector_load_idx %arg16[%broadcast_in_dim3A_371] : memref<5376xf32, #tpu.memory_space<vmem>>[vector<16xi32>], vector<16xf32>,
        %gather3A_409 = tpu.vector_load_idx %arg17[%broadcast_in_dim3A_371] : memref<5376xf32, #tpu.memory_space<vmem>>[vector<16xi32>], vector<16xf32>,
        %gather3A_410 = tpu.vector_load_idx %arg18[%broadcast_in_dim3A_371] : memref<5376xf32, #tpu.memory_space<vmem>>[vector<16xi32>], vector<16xf32>,
        %gather3A_411 = tpu.vector_load_idx %arg19[%broadcast_in_dim3A_371] : memref<5376xf32, #tpu.memory_space<vmem>>[vector<16xi32>], vector<16xf32>,
        %broadcast_in_dim3A_412 = arith.constant 0.000000e+00 : f32
        %broadcast_in_dim3A_413 = vector.broadcast %broadcast_in_dim3A_412 : f32 to vector<16xf32>
        %eq3A_414 = arith.constant 0 : i32
        %eq3A_415 = vector.broadcast %eq3A_414 : i32 to vector<16xi32>
        %eq3A_416 = arith.cmpi eq, %iota3A, %eq3A_415 : vector<16xi32>
        %select_n3A_417 = arith.select %eq3A_416, %gather3A_374, %broadcast_in_dim3A_413 : vector<16xi1>, vector<16xf32>
        %eq3A_418 = arith.constant 1 : i32
        %eq3A_419 = vector.broadcast %eq3A_418 : i32 to vector<16xi32>
        %eq3A_420 = arith.cmpi eq, %iota3A, %eq3A_419 : vector<16xi32>
        %select_n3A_421 = arith.select %eq3A_420, %gather3A_375, %select_n3A_417 : vector<16xi1>, vector<16xf32>
        %eq3A_422 = arith.constant 2 : i32
        %eq3A_423 = vector.broadcast %eq3A_422 : i32 to vector<16xi32>
        %eq3A_424 = arith.cmpi eq, %iota3A, %eq3A_423 : vector<16xi32>
        %select_n3A_425 = arith.select %eq3A_424, %gather3A_376, %select_n3A_421 : vector<16xi1>, vector<16xf32>
        %eq3A_426 = arith.constant 3 : i32
        %eq3A_427 = vector.broadcast %eq3A_426 : i32 to vector<16xi32>
        %eq3A_428 = arith.cmpi eq, %iota3A, %eq3A_427 : vector<16xi32>
        %select_n3A_429 = arith.select %eq3A_428, %gather3A_377, %select_n3A_425 : vector<16xi1>, vector<16xf32>
        %eq3A_430 = arith.constant 4 : i32
        %eq3A_431 = vector.broadcast %eq3A_430 : i32 to vector<16xi32>
        %eq3A_432 = arith.cmpi eq, %iota3A, %eq3A_431 : vector<16xi32>
        %select_n3A_433 = arith.select %eq3A_432, %max3A_303, %select_n3A_429 : vector<16xi1>, vector<16xf32>
        %eq3A_434 = arith.constant 5 : i32
        %eq3A_435 = vector.broadcast %eq3A_434 : i32 to vector<16xi32>
        %eq3A_436 = arith.cmpi eq, %iota3A, %eq3A_435 : vector<16xi32>
        %select_n3A_437 = arith.select %eq3A_436, %gather3A_408, %select_n3A_433 : vector<16xi1>, vector<16xf32>
        %eq3A_438 = arith.constant 6 : i32
        %eq3A_439 = vector.broadcast %eq3A_438 : i32 to vector<16xi32>
        %eq3A_440 = arith.cmpi eq, %iota3A, %eq3A_439 : vector<16xi32>
        %select_n3A_441 = arith.select %eq3A_440, %gather3A_409, %select_n3A_437 : vector<16xi1>, vector<16xf32>
        %eq3A_442 = arith.constant 7 : i32
        %eq3A_443 = vector.broadcast %eq3A_442 : i32 to vector<16xi32>
        %eq3A_444 = arith.cmpi eq, %iota3A, %eq3A_443 : vector<16xi32>
        %select_n3A_445 = arith.select %eq3A_444, %gather3A_410, %select_n3A_441 : vector<16xi1>, vector<16xf32>
        %eq3A_446 = arith.constant 8 : i32
        %eq3A_447 = vector.broadcast %eq3A_446 : i32 to vector<16xi32>
        %eq3A_448 = arith.cmpi eq, %iota3A, %eq3A_447 : vector<16xi32>
        %select_n3A_449 = arith.select %eq3A_448, %gather3A_411, %select_n3A_445 : vector<16xi1>, vector<16xf32>
        %jit3A_450 = arith.constant 0.000000e+00 : f32
        %broadcast_in_dim3A_451 = vector.broadcast %jit3A_450 : f32 to vector<16xf32>
        %select_n3A_452 = arith.select %gt3A_373, %select_n3A_449, %broadcast_in_dim3A_451 : vector<16xi1>, vector<16xf32>
        %broadcast_in_dim3A_453 = vector.broadcast %scan3A_92 : i32 to vector<16xi32>
        tpu.vector_store_idx %arg20[%broadcast_in_dim3A_453, %iota3A], %select_n3A_452 : memref<112x16xf32, #tpu.memory_space<vmem>>[vector<16xi32>, vector<16xi32>], vector<16xf32>,
      } else {
      }
      scf.yield %scan3A_401#0, %scan3A_401#1 : vector<16xf32>, vector<16xi32>
    }
    %scan3A_86 = arith.constant 100 : i32
    %eq3A_87 = arith.constant 0 : i32
    %eq3A_88 = arith.cmpi eq, %select_n3A_30, %eq3A_87 : i32
    %convert_element_type3A_89 = arith.extui %eq3A_88 : i1 to i32
    %cond3A_90 = arith.constant 0 : i32
    %cond3A_91 = arith.cmpi ne, %convert_element_type3A_89, %cond3A_90 : i32
    scf.if %cond3A_91 {
      "tpu.region"() ({
        %run_scoped3A_92 = tpu.sem_alloc : memref<!tpu.dma_semaphore, #tpu.memory_space<semaphore_mem>>
        %dma_start3A = arith.constant 0 : i32
        %dma_start3A_93 = arith.constant 0 : i32
        %dma_start3A_94 = tpu.memref_slice %arg9[%add3A, %dma_start3A, %dma_start3A_93] : memref<8x112x16xf32, #tpu.memory_space<hbm>> -> memref<1x112x16xf32, #tpu.memory_space<hbm>>
        %dma_start3A_95 = tpu.memref_squeeze %dma_start3A_94 : memref<1x112x16xf32, #tpu.memory_space<hbm>> -> memref<112x16xf32, #tpu.memory_space<hbm>>
        %dma_start3A_96 = arith.constant 0 : i32
        %dma_start3A_97 = arith.constant 0 : i32
        %dma_start3A_98 = tpu.memref_slice %arg9[%add3A, %dma_start3A_96, %dma_start3A_97] : memref<8x112x16xf32, #tpu.memory_space<hbm>> -> memref<1x112x16xf32, #tpu.memory_space<hbm>>
        %dma_start3A_99 = tpu.memref_squeeze %dma_start3A_98 : memref<1x112x16xf32, #tpu.memory_space<hbm>> -> memref<112x16xf32, #tpu.memory_space<hbm>>
        tpu.enqueue_dma source(%arg20 : memref<112x16xf32, #tpu.memory_space<vmem>>) target(%dma_start3A_99 : memref<112x16xf32, #tpu.memory_space<hbm>>) target_semaphore(%run_scoped3A_92 : memref<!tpu.dma_semaphore, #tpu.memory_space<semaphore_mem>>)
        %dma_wait3A = arith.constant 0 : i32
        %dma_wait3A_100 = arith.constant 0 : i32
        %dma_wait3A_101 = tpu.memref_slice %arg9[%add3A, %dma_wait3A, %dma_wait3A_100] : memref<8x112x16xf32, #tpu.memory_space<hbm>> -> memref<1x112x16xf32, #tpu.memory_space<hbm>>
        %dma_wait3A_102 = tpu.memref_squeeze %dma_wait3A_101 : memref<1x112x16xf32, #tpu.memory_space<hbm>> -> memref<112x16xf32, #tpu.memory_space<hbm>>
        %dma_wait3A_103 = arith.constant 0 : i32
        %dma_wait3A_104 = arith.constant 0 : i32
        %dma_wait3A_105 = tpu.memref_slice %arg9[%add3A, %dma_wait3A_103, %dma_wait3A_104] : memref<8x112x16xf32, #tpu.memory_space<hbm>> -> memref<1x112x16xf32, #tpu.memory_space<hbm>>
        %dma_wait3A_106 = tpu.memref_squeeze %dma_wait3A_105 : memref<1x112x16xf32, #tpu.memory_space<hbm>> -> memref<112x16xf32, #tpu.memory_space<hbm>>
        tpu.wait_dma2 semaphore(%run_scoped3A_92 : memref<!tpu.dma_semaphore, #tpu.memory_space<semaphore_mem>>) src(%arg20 : memref<112x16xf32, #tpu.memory_space<vmem>>) dst(%dma_wait3A_106 : memref<112x16xf32, #tpu.memory_space<hbm>>)
        tpu.yield
      }) : () -> ()
    } else {
    }
    return
  }
}

module attributes {stable_mosaic.version = 14 : i64} {
  func.func @_decode_body(%arg0: i32, %arg1: memref<1x64x5376xf32, #tpu.memory_space<vmem>>, %arg2: memref<1x80x5376xf32, #tpu.memory_space<vmem>>, %arg3: memref<8x5376xf32, #tpu.memory_space<vmem>>, %arg4: memref<1x1x5376xf32, #tpu.memory_space<vmem>>, %arg5: memref<1x1x5376xf32, #tpu.memory_space<vmem>>, %arg6: memref<1x1x5376xf32, #tpu.memory_space<vmem>>, %arg7: memref<1x1x5376xf32, #tpu.memory_space<vmem>>, %arg8: memref<1x1x5376xf32, #tpu.memory_space<vmem>>, %arg9: memref<1x1x5376xf32, #tpu.memory_space<vmem>>) attributes {dimension_semantics = [#tpu.dimension_semantics<arbitrary>], iteration_bounds = array<i64: 8>, scalar_prefetch = 0 : i64, scratch_operands = 0 : i64, tpu.core_type = #tpu.core_type<tc>, window_params = [{transform_indices = @transform_0, window_bounds = array<i64: 1, 64, 5376>}, {transform_indices = @transform_1, window_bounds = array<i64: 1, 80, 5376>}, {pipeline_mode = #tpu.pipeline_mode<synchronous>, transform_indices = @transform_2, window_bounds = array<i64: 8, 5376>}, {transform_indices = @transform_3, window_bounds = array<i64: 1, 1, 5376>}, {transform_indices = @transform_4, window_bounds = array<i64: 1, 1, 5376>}, {transform_indices = @transform_5, window_bounds = array<i64: 1, 1, 5376>}, {transform_indices = @transform_6, window_bounds = array<i64: 1, 1, 5376>}, {transform_indices = @transform_7, window_bounds = array<i64: 1, 1, 5376>}, {transform_indices = @transform_8, window_bounds = array<i64: 1, 1, 5376>}]} {
    %get3A = arith.constant 0 : index
    %get3A_0 = arith.constant 0 : index
    %get3A_1 = arith.constant 0 : index
    %get3A_2 = vector.load %arg1[%get3A, %get3A_0, %get3A_1] : memref<1x64x5376xf32, #tpu.memory_space<vmem>>, vector<1x64x5376xf32>
    %get3A_3 = vector.shape_cast %get3A_2 : vector<1x64x5376xf32> to vector<64x5376xf32>
    %iota3A = tpu.iota {dimensions = array<i32: 0>} : vector<16x1xi32>
    %convert_element_type3A = arith.sitofp %iota3A : vector<16x1xi32> to vector<16x1xf32>
    %slice3A = vector.extract_strided_slice %get3A_3 {offsets = [0, 0], sizes = [16, 5376], strides = [1, 1]} : vector<64x5376xf32> to vector<16x5376xf32>
    %reduce_max3A = arith.constant dense<0xFF800000> : vector<5376xf32>
    %reduce_max3A_4 = vector.multi_reduction <maximumf>, %slice3A, %reduce_max3A [0] : vector<16x5376xf32> to vector<5376xf32>
    %broadcast_in_dim3A = vector.shape_cast %reduce_max3A_4 : vector<5376xf32> to vector<1x5376xf32>
    %sub3A = vector.broadcast %broadcast_in_dim3A : vector<1x5376xf32> to vector<16x5376xf32>
    %sub3A_5 = arith.subf %slice3A, %sub3A : vector<16x5376xf32>
    %exp3A = math.exp %sub3A_5 : vector<16x5376xf32>
    %reduce_sum3A = arith.constant dense<0.000000e+00> : vector<5376xf32>
    %reduce_sum3A_6 = vector.multi_reduction <add>, %exp3A, %reduce_sum3A [0] : vector<16x5376xf32> to vector<5376xf32>
    %broadcast_in_dim3A_7 = vector.shape_cast %reduce_sum3A_6 : vector<5376xf32> to vector<1x5376xf32>
    %mul3A = vector.broadcast %convert_element_type3A : vector<16x1xf32> to vector<16x5376xf32>
    %mul3A_8 = arith.mulf %exp3A, %mul3A : vector<16x5376xf32>
    %reduce_sum3A_9 = arith.constant dense<0.000000e+00> : vector<5376xf32>
    %reduce_sum3A_10 = vector.multi_reduction <add>, %mul3A_8, %reduce_sum3A_9 [0] : vector<16x5376xf32> to vector<5376xf32>
    %broadcast_in_dim3A_11 = vector.shape_cast %reduce_sum3A_10 : vector<5376xf32> to vector<1x5376xf32>
    %div3A = arith.divf %broadcast_in_dim3A_11, %broadcast_in_dim3A_7 : vector<1x5376xf32>
    %slice3A_12 = vector.extract_strided_slice %get3A_3 {offsets = [16, 0], sizes = [16, 5376], strides = [1, 1]} : vector<64x5376xf32> to vector<16x5376xf32>
    %reduce_max3A_13 = arith.constant dense<0xFF800000> : vector<5376xf32>
    %reduce_max3A_14 = vector.multi_reduction <maximumf>, %slice3A_12, %reduce_max3A_13 [0] : vector<16x5376xf32> to vector<5376xf32>
    %broadcast_in_dim3A_15 = vector.shape_cast %reduce_max3A_14 : vector<5376xf32> to vector<1x5376xf32>
    %sub3A_16 = vector.broadcast %broadcast_in_dim3A_15 : vector<1x5376xf32> to vector<16x5376xf32>
    %sub3A_17 = arith.subf %slice3A_12, %sub3A_16 : vector<16x5376xf32>
    %exp3A_18 = math.exp %sub3A_17 : vector<16x5376xf32>
    %reduce_sum3A_19 = arith.constant dense<0.000000e+00> : vector<5376xf32>
    %reduce_sum3A_20 = vector.multi_reduction <add>, %exp3A_18, %reduce_sum3A_19 [0] : vector<16x5376xf32> to vector<5376xf32>
    %broadcast_in_dim3A_21 = vector.shape_cast %reduce_sum3A_20 : vector<5376xf32> to vector<1x5376xf32>
    %mul3A_22 = vector.broadcast %convert_element_type3A : vector<16x1xf32> to vector<16x5376xf32>
    %mul3A_23 = arith.mulf %exp3A_18, %mul3A_22 : vector<16x5376xf32>
    %reduce_sum3A_24 = arith.constant dense<0.000000e+00> : vector<5376xf32>
    %reduce_sum3A_25 = vector.multi_reduction <add>, %mul3A_23, %reduce_sum3A_24 [0] : vector<16x5376xf32> to vector<5376xf32>
    %broadcast_in_dim3A_26 = vector.shape_cast %reduce_sum3A_25 : vector<5376xf32> to vector<1x5376xf32>
    %div3A_27 = arith.divf %broadcast_in_dim3A_26, %broadcast_in_dim3A_21 : vector<1x5376xf32>
    %slice3A_28 = vector.extract_strided_slice %get3A_3 {offsets = [32, 0], sizes = [16, 5376], strides = [1, 1]} : vector<64x5376xf32> to vector<16x5376xf32>
    %reduce_max3A_29 = arith.constant dense<0xFF800000> : vector<5376xf32>
    %reduce_max3A_30 = vector.multi_reduction <maximumf>, %slice3A_28, %reduce_max3A_29 [0] : vector<16x5376xf32> to vector<5376xf32>
    %broadcast_in_dim3A_31 = vector.shape_cast %reduce_max3A_30 : vector<5376xf32> to vector<1x5376xf32>
    %sub3A_32 = vector.broadcast %broadcast_in_dim3A_31 : vector<1x5376xf32> to vector<16x5376xf32>
    %sub3A_33 = arith.subf %slice3A_28, %sub3A_32 : vector<16x5376xf32>
    %exp3A_34 = math.exp %sub3A_33 : vector<16x5376xf32>
    %reduce_sum3A_35 = arith.constant dense<0.000000e+00> : vector<5376xf32>
    %reduce_sum3A_36 = vector.multi_reduction <add>, %exp3A_34, %reduce_sum3A_35 [0] : vector<16x5376xf32> to vector<5376xf32>
    %broadcast_in_dim3A_37 = vector.shape_cast %reduce_sum3A_36 : vector<5376xf32> to vector<1x5376xf32>
    %mul3A_38 = vector.broadcast %convert_element_type3A : vector<16x1xf32> to vector<16x5376xf32>
    %mul3A_39 = arith.mulf %exp3A_34, %mul3A_38 : vector<16x5376xf32>
    %reduce_sum3A_40 = arith.constant dense<0.000000e+00> : vector<5376xf32>
    %reduce_sum3A_41 = vector.multi_reduction <add>, %mul3A_39, %reduce_sum3A_40 [0] : vector<16x5376xf32> to vector<5376xf32>
    %broadcast_in_dim3A_42 = vector.shape_cast %reduce_sum3A_41 : vector<5376xf32> to vector<1x5376xf32>
    %div3A_43 = arith.divf %broadcast_in_dim3A_42, %broadcast_in_dim3A_37 : vector<1x5376xf32>
    %slice3A_44 = vector.extract_strided_slice %get3A_3 {offsets = [48, 0], sizes = [16, 5376], strides = [1, 1]} : vector<64x5376xf32> to vector<16x5376xf32>
    %reduce_max3A_45 = arith.constant dense<0xFF800000> : vector<5376xf32>
    %reduce_max3A_46 = vector.multi_reduction <maximumf>, %slice3A_44, %reduce_max3A_45 [0] : vector<16x5376xf32> to vector<5376xf32>
    %broadcast_in_dim3A_47 = vector.shape_cast %reduce_max3A_46 : vector<5376xf32> to vector<1x5376xf32>
    %sub3A_48 = vector.broadcast %broadcast_in_dim3A_47 : vector<1x5376xf32> to vector<16x5376xf32>
    %sub3A_49 = arith.subf %slice3A_44, %sub3A_48 : vector<16x5376xf32>
    %exp3A_50 = math.exp %sub3A_49 : vector<16x5376xf32>
    %reduce_sum3A_51 = arith.constant dense<0.000000e+00> : vector<5376xf32>
    %reduce_sum3A_52 = vector.multi_reduction <add>, %exp3A_50, %reduce_sum3A_51 [0] : vector<16x5376xf32> to vector<5376xf32>
    %broadcast_in_dim3A_53 = vector.shape_cast %reduce_sum3A_52 : vector<5376xf32> to vector<1x5376xf32>
    %mul3A_54 = vector.broadcast %convert_element_type3A : vector<16x1xf32> to vector<16x5376xf32>
    %mul3A_55 = arith.mulf %exp3A_50, %mul3A_54 : vector<16x5376xf32>
    %reduce_sum3A_56 = arith.constant dense<0.000000e+00> : vector<5376xf32>
    %reduce_sum3A_57 = vector.multi_reduction <add>, %mul3A_55, %reduce_sum3A_56 [0] : vector<16x5376xf32> to vector<5376xf32>
    %broadcast_in_dim3A_58 = vector.shape_cast %reduce_sum3A_57 : vector<5376xf32> to vector<1x5376xf32>
    %div3A_59 = arith.divf %broadcast_in_dim3A_58, %broadcast_in_dim3A_53 : vector<1x5376xf32>
    %get3A_60 = arith.constant 0 : index
    %get3A_61 = arith.constant 0 : index
    %get3A_62 = vector.load %arg3[%get3A_60, %get3A_61] : memref<8x5376xf32, #tpu.memory_space<vmem>>, vector<1x5376xf32>
    %get3A_63 = arith.constant 1 : index
    %get3A_64 = arith.constant 0 : index
    %get3A_65 = vector.load %arg3[%get3A_63, %get3A_64] : memref<8x5376xf32, #tpu.memory_space<vmem>>, vector<1x5376xf32>
    %get3A_66 = arith.constant 2 : index
    %get3A_67 = arith.constant 0 : index
    %get3A_68 = vector.load %arg3[%get3A_66, %get3A_67] : memref<8x5376xf32, #tpu.memory_space<vmem>>, vector<1x5376xf32>
    %sub3A_69 = arith.subf %get3A_62, %div3A : vector<1x5376xf32>
    %mul3A_70 = arith.mulf %sub3A_69, %get3A_68 : vector<1x5376xf32>
    %sub3A_71 = arith.subf %get3A_65, %div3A_27 : vector<1x5376xf32>
    %mul3A_72 = arith.mulf %sub3A_71, %get3A_68 : vector<1x5376xf32>
    %add3A = arith.addf %get3A_62, %div3A_43 : vector<1x5376xf32>
    %mul3A_73 = arith.mulf %add3A, %get3A_68 : vector<1x5376xf32>
    %add3A_74 = arith.addf %get3A_65, %div3A_59 : vector<1x5376xf32>
    %mul3A_75 = arith.mulf %add3A_74, %get3A_68 : vector<1x5376xf32>
    %swap3A = arith.constant 0 : index
    %swap3A_76 = arith.constant 0 : index
    %swap3A_77 = arith.constant 0 : index
    %swap3A_78 = vector.load %arg4[%swap3A, %swap3A_76, %swap3A_77] : memref<1x1x5376xf32, #tpu.memory_space<vmem>>, vector<1x1x5376xf32>
    %swap3A_79 = vector.shape_cast %swap3A_78 : vector<1x1x5376xf32> to vector<1x5376xf32>
    %swap3A_80 = vector.shape_cast %mul3A_70 : vector<1x5376xf32> to vector<1x1x5376xf32>
    tpu.vector_store %arg4[%swap3A, %swap3A_76, %swap3A_77], %swap3A_80 {strides = array<i32>} : memref<1x1x5376xf32, #tpu.memory_space<vmem>>, vector<1x1x5376xf32>,
    %swap3A_81 = arith.constant 0 : index
    %swap3A_82 = arith.constant 0 : index
    %swap3A_83 = arith.constant 0 : index
    %swap3A_84 = vector.load %arg5[%swap3A_81, %swap3A_82, %swap3A_83] : memref<1x1x5376xf32, #tpu.memory_space<vmem>>, vector<1x1x5376xf32>
    %swap3A_85 = vector.shape_cast %swap3A_84 : vector<1x1x5376xf32> to vector<1x5376xf32>
    %swap3A_86 = vector.shape_cast %mul3A_72 : vector<1x5376xf32> to vector<1x1x5376xf32>
    tpu.vector_store %arg5[%swap3A_81, %swap3A_82, %swap3A_83], %swap3A_86 {strides = array<i32>} : memref<1x1x5376xf32, #tpu.memory_space<vmem>>, vector<1x1x5376xf32>,
    %swap3A_87 = arith.constant 0 : index
    %swap3A_88 = arith.constant 0 : index
    %swap3A_89 = arith.constant 0 : index
    %swap3A_90 = vector.load %arg6[%swap3A_87, %swap3A_88, %swap3A_89] : memref<1x1x5376xf32, #tpu.memory_space<vmem>>, vector<1x1x5376xf32>
    %swap3A_91 = vector.shape_cast %swap3A_90 : vector<1x1x5376xf32> to vector<1x5376xf32>
    %swap3A_92 = vector.shape_cast %mul3A_73 : vector<1x5376xf32> to vector<1x1x5376xf32>
    tpu.vector_store %arg6[%swap3A_87, %swap3A_88, %swap3A_89], %swap3A_92 {strides = array<i32>} : memref<1x1x5376xf32, #tpu.memory_space<vmem>>, vector<1x1x5376xf32>,
    %swap3A_93 = arith.constant 0 : index
    %swap3A_94 = arith.constant 0 : index
    %swap3A_95 = arith.constant 0 : index
    %swap3A_96 = vector.load %arg7[%swap3A_93, %swap3A_94, %swap3A_95] : memref<1x1x5376xf32, #tpu.memory_space<vmem>>, vector<1x1x5376xf32>
    %swap3A_97 = vector.shape_cast %swap3A_96 : vector<1x1x5376xf32> to vector<1x5376xf32>
    %swap3A_98 = vector.shape_cast %mul3A_75 : vector<1x5376xf32> to vector<1x1x5376xf32>
    tpu.vector_store %arg7[%swap3A_93, %swap3A_94, %swap3A_95], %swap3A_98 {strides = array<i32>} : memref<1x1x5376xf32, #tpu.memory_space<vmem>>, vector<1x1x5376xf32>,
    %sub3A_99 = arith.subf %mul3A_73, %mul3A_70 : vector<1x5376xf32>
    %max3A = arith.constant 0.000000e+00 : f32
    %max3A_100 = vector.broadcast %max3A : f32 to vector<1x5376xf32>
    %max3A_101 = arith.maximumf %sub3A_99, %max3A_100 : vector<1x5376xf32>
    %sub3A_102 = arith.subf %mul3A_75, %mul3A_72 : vector<1x5376xf32>
    %max3A_103 = arith.constant 0.000000e+00 : f32
    %max3A_104 = vector.broadcast %max3A_103 : f32 to vector<1x5376xf32>
    %max3A_105 = arith.maximumf %sub3A_102, %max3A_104 : vector<1x5376xf32>
    %mul3A_106 = arith.mulf %max3A_101, %max3A_105 : vector<1x5376xf32>
    %swap3A_107 = arith.constant 0 : index
    %swap3A_108 = arith.constant 0 : index
    %swap3A_109 = arith.constant 0 : index
    %swap3A_110 = vector.load %arg8[%swap3A_107, %swap3A_108, %swap3A_109] : memref<1x1x5376xf32, #tpu.memory_space<vmem>>, vector<1x1x5376xf32>
    %swap3A_111 = vector.shape_cast %swap3A_110 : vector<1x1x5376xf32> to vector<1x5376xf32>
    %swap3A_112 = vector.shape_cast %mul3A_106 : vector<1x5376xf32> to vector<1x1x5376xf32>
    tpu.vector_store %arg8[%swap3A_107, %swap3A_108, %swap3A_109], %swap3A_112 {strides = array<i32>} : memref<1x1x5376xf32, #tpu.memory_space<vmem>>, vector<1x1x5376xf32>,
    %get3A_113 = arith.constant 0 : index
    %get3A_114 = arith.constant 0 : index
    %get3A_115 = arith.constant 0 : index
    %get3A_116 = vector.load %arg2[%get3A_113, %get3A_114, %get3A_115] : memref<1x80x5376xf32, #tpu.memory_space<vmem>>, vector<1x80x5376xf32>
    %get3A_117 = vector.shape_cast %get3A_116 : vector<1x80x5376xf32> to vector<80x5376xf32>
    %reduce_max3A_118 = arith.constant dense<0xFF800000> : vector<5376xf32>
    %reduce_max3A_119 = vector.multi_reduction <maximumf>, %get3A_117, %reduce_max3A_118 [0] : vector<80x5376xf32> to vector<5376xf32>
    %broadcast_in_dim3A_120 = vector.shape_cast %reduce_max3A_119 : vector<5376xf32> to vector<1x5376xf32>
    %gt3A = arith.constant 2.000000e-01 : f32
    %gt3A_121 = vector.broadcast %gt3A : f32 to vector<1x5376xf32>
    %gt3A_122 = arith.cmpf ogt, %broadcast_in_dim3A_120, %gt3A_121 : vector<1x5376xf32>
    %jit3A = arith.constant 0xFF800000 : f32
    %broadcast_in_dim3A_123 = vector.broadcast %jit3A : f32 to vector<1x5376xf32>
    %select_n3A = arith.select %gt3A_122, %broadcast_in_dim3A_120, %broadcast_in_dim3A_123 : vector<1x5376xi1>, vector<1x5376xf32>
    %swap3A_124 = arith.constant 0 : index
    %swap3A_125 = arith.constant 0 : index
    %swap3A_126 = arith.constant 0 : index
    %swap3A_127 = vector.load %arg9[%swap3A_124, %swap3A_125, %swap3A_126] : memref<1x1x5376xf32, #tpu.memory_space<vmem>>, vector<1x1x5376xf32>
    %swap3A_128 = vector.shape_cast %swap3A_127 : vector<1x1x5376xf32> to vector<1x5376xf32>
    %swap3A_129 = vector.shape_cast %select_n3A : vector<1x5376xf32> to vector<1x1x5376xf32>
    tpu.vector_store %arg9[%swap3A_124, %swap3A_125, %swap3A_126], %swap3A_129 {strides = array<i32>} : memref<1x1x5376xf32, #tpu.memory_space<vmem>>, vector<1x1x5376xf32>,
    return
  }
  func.func @transform_0(%arg0: i32) -> (i32, i32, i32) {
    %c0_i32 = arith.constant 0 : i32
    %c0_i32_0 = arith.constant 0 : i32
    %c0_i32_1 = arith.constant 0 : i32
    return %arg0, %c0_i32, %c0_i32_0 : i32, i32, i32
  }
  func.func @transform_1(%arg0: i32) -> (i32, i32, i32) {
    %c0_i32 = arith.constant 0 : i32
    %c0_i32_0 = arith.constant 0 : i32
    %c0_i32_1 = arith.constant 0 : i32
    return %arg0, %c0_i32, %c0_i32_0 : i32, i32, i32
  }
  func.func @transform_2(%arg0: i32) -> (i32, i32) {
    %c0_i32 = arith.constant 0 : i32
    %c0_i32_0 = arith.constant 0 : i32
    %c0_i32_1 = arith.constant 0 : i32
    return %c0_i32, %c0_i32_0 : i32, i32
  }
  func.func @transform_3(%arg0: i32) -> (i32, i32, i32) {
    %c0_i32 = arith.constant 0 : i32
    %c0_i32_0 = arith.constant 0 : i32
    %c0_i32_1 = arith.constant 0 : i32
    return %arg0, %c0_i32, %c0_i32_0 : i32, i32, i32
  }
  func.func @transform_4(%arg0: i32) -> (i32, i32, i32) {
    %c0_i32 = arith.constant 0 : i32
    %c0_i32_0 = arith.constant 0 : i32
    %c0_i32_1 = arith.constant 0 : i32
    return %arg0, %c0_i32, %c0_i32_0 : i32, i32, i32
  }
  func.func @transform_5(%arg0: i32) -> (i32, i32, i32) {
    %c0_i32 = arith.constant 0 : i32
    %c0_i32_0 = arith.constant 0 : i32
    %c0_i32_1 = arith.constant 0 : i32
    return %arg0, %c0_i32, %c0_i32_0 : i32, i32, i32
  }
  func.func @transform_6(%arg0: i32) -> (i32, i32, i32) {
    %c0_i32 = arith.constant 0 : i32
    %c0_i32_0 = arith.constant 0 : i32
    %c0_i32_1 = arith.constant 0 : i32
    return %arg0, %c0_i32, %c0_i32_0 : i32, i32, i32
  }
  func.func @transform_7(%arg0: i32) -> (i32, i32, i32) {
    %c0_i32 = arith.constant 0 : i32
    %c0_i32_0 = arith.constant 0 : i32
    %c0_i32_1 = arith.constant 0 : i32
    return %arg0, %c0_i32, %c0_i32_0 : i32, i32, i32
  }
  func.func @transform_8(%arg0: i32) -> (i32, i32, i32) {
    %c0_i32 = arith.constant 0 : i32
    %c0_i32_0 = arith.constant 0 : i32
    %c0_i32_1 = arith.constant 0 : i32
    return %arg0, %c0_i32, %c0_i32_0 : i32, i32, i32
  }
}

</mosaic_0001>

<sc_bundles>
// kernel: kernel.4.cloned.1.call-start
scs
__scs_entry_jumppad:
0x0: {  	(pc) =	sbr.rel $0x88, $3  }
0x1: {  	(tag) =	ssettag $0x0;
	lr =	simm.s32 $0x1  }
0x2: {  	[smem:$0x3F9E] =	sst lr;
	_ =	strace $0xD0000000  }
0x3: {  	_ = 	snop  }
0x4: {  	_ = 	snop  }
0x5: {  	_ = 	snop  }
0x6: {  	_ = 	snop  }
0x7: {  	_ = 	snop  }
__scs_overlays_trampoline_lowered:
0x8: {  	[smem:$0x3FAD] =	sst s0  }
0x9: {  	[smem:$0x3FAE] =	sst s1  }
0xa: {  	[smem:$0x3FAF] =	sst s2  }
0xb: {  	[smem:$0x3FB0] =	sst s3  }
0xc: {  	[smem:$0x3FB1] =	sst s4  }
0xd: {  	[smem:$0x3FB2] =	sst s5  }
0xe: {  	[smem:$0x3FB3] =	sst s6  }
0xf: {  	[smem:$0x3FB4] =	sst s7  }
0x10: {  	[smem:$0x3FB5] =	sst s8  }
0x11: {  	[smem:$0x3FB6] =	sst s9;
	s0 =	simm.s32 @!p0 $0x0  }
0x12: {  	s1 =	sld [smem:$0x3F9C];
	s0 =	simm.s32 @p0 $0x1  }
0x13: {  	[smem:$0x3FB7] =	sst s0;
	s0 =	simm.s32 @!p1 $0x0  }
0x14: {  	s2 =	sld [smem:$0x3F9B];
	s0 =	simm.s32 @p1 $0x1  }
0x15: {  	[smem:$0x3FB8] =	sst s0;
	s0 =	simm.s32 @!p2 $0x0  }
0x16: {  	s3 =	sld [smem:$0x3FDB];
	s0 =	simm.s32 @p2 $0x1  }
0x17: {  	s4 =	simm.s32 $0x1BF5;
	[smem:$0x3FBA] =	sst s0  }
0x18: {  	s0 =	sld [smem:$0x3F9D];
	_ =	swait.ge [sflag:s4], $0x0  }
0x19: {  	s7 =	sld [smem:$0x3F9E]  }
0x1a: {  	s8 =	sadd.s32 $0xFFFFE003, lr  }
0x1b: {  	s9 =	sadd.s32 $0xFFFFFEF7, lr;
	s5 =	simm.s32 $0xFFFFFFFF;
	p2 =	slt.u32 s8, $0xFFFFF086  }
0x1c: {  	p1 =	slt.u32 s9, $0xF7A;
	s5 =	simm.s32 @!p2 $0x0  }
0x1d: {  	s5 =	simm.s32 @p1 $0x1;
	p0 =	seq.s32 s7, s2  }
0x1e: {  	s7 =	smul.u32 @!p0 $0xF7A, s2;
	p2 =	seq.s32 @!p0 s5, $0x0  }
0x1f: {  	s9 =	smul.u32 $0xF7A, s1;
	s8 =	simm.s32 @!p0 $0x1BF5;
	p2 =	por !p2, p0  }
0x20: {  	[sflag:s8] =	ssyncset.s32 @!p0 $0xFFFFF086;
	s6 =	sadd.s32 @!p0 s3, s7;
	s7 =	simm.s32 @!p0 $0x108  }
0x21: {  	s3 =	sadd.s32 s3, s9;
	s6 =	sadd.s32 @!p0 $0x88, s6;
	s7 =	simm.s32 @p2 $0x1082  }
0x22: {  	[simem:s7], [sflag:s8] =	dma.local @!p0 [hbm:s6], $0xF7A  }
0x23: {  	s9 =	sor.u32 $0xD0000000, s2;
	s6 =	simm.s32 $0x108;
	_ =	swait.ge @!p0 [sflag:s8], $0x0  }
0x24: {  	s3 =	sadd.s32 $0x88, s3;
	s6 =	simm.s32 @!p1 $0x1082;
	[sflag:s4] =	ssyncset.s32 $0xFFFFF086  }
0x25: {  	[simem:s6], [sflag:s4] =	dma.local [hbm:s3], $0xF7A  }
0x26: {  	[smem:$0x3F9E] =	sst s1;
	(tag) =	ssettag s2;
	_ =	strace s9  }
0x27: {  	s1 =	sld [smem:$0x3FAE]  }
0x28: {  	s2 =	sld [smem:$0x3FAF]  }
0x29: {  	s4 =	sld [smem:$0x3FB1]  }
0x2a: {  	p0 =	seq.s32 s5, $0x0;
	s5 =	sld [smem:$0x3FB2]  }
0x2b: {  	s6 =	sld [smem:$0x3FB3]  }
0x2c: {  	s7 =	sld [smem:$0x3FB4]  }
0x2d: {  	s3 =	simm.s32 $0x108;
	s8 =	sld [smem:$0x3FB5]  }
0x2e: {  	s3 =	simm.s32 @!p0 $0x1082;
	s9 =	sld [smem:$0x3FB6]  }
0x2f: {  	lr =	sadd.s32 s0, s3;
	s0 =	sld [smem:$0x3FAD]  }
0x30: {  	s3 =	sld [smem:$0x3FB0]  }
0x31: {  	[smem:$0x3FB9] =	sst s10  }
0x32: {  	s10 =	sld [smem:$0x3FB7];
	_ =	sdelay $0x3  }
0x33: {  	p0 =	seq.s32 s10, $0x1;
	s10 =	sld [smem:$0x3FB9];
	_ =	sdelay $0x3  }
0x34: {  	[smem:$0x3FB9] =	sst s10  }
0x35: {  	s10 =	sld [smem:$0x3FB8];
	_ =	sdelay $0x3  }
0x36: {  	p1 =	seq.s32 s10, $0x1;
	s10 =	sld [smem:$0x3FB9];
	_ =	sdelay $0x3  }
0x37: {  	[smem:$0x3FB9] =	sst s10  }
0x38: {  	s10 =	sld [smem:$0x3FBA]  }
0x39: {  	_ = 	snop;
	(pc) =	sbr.ind lr, $3  }
0x3a: {  	_ = 	snop  }
0x3b: {  	_ = 	snop  }
0x3c: {  	p2 =	seq.s32 s10, $0x1;
	s10 =	sld [smem:$0x3FB9]  }
0x3d: {  	_ =	shalt  }
0x3e: {  	_ =	shalt  }
0x3f: {  	_ =	shalt  }
0x40: {  	_ =	shalt  }
0x41: {  	_ =	shalt  }
0x42: {  	_ =	shalt  }
0x43: {  	_ =	shalt  }
0x44: {  	_ =	shalt  }
0x45: {  	_ =	shalt  }
0x46: {  	_ =	shalt  }
0x47: {  	_ =	shalt  }
0x48: {  	_ =	shalt  }
0x49: {  	_ =	shalt  }
0x4a: {  	_ =	shalt  }
0x4b: {  	_ =	shalt  }
0x4c: {  	_ =	shalt  }
0x4d: {  	_ =	shalt  }
0x4e: {  	_ =	shalt  }
0x4f: {  	_ =	shalt  }
0x50: {  	_ =	shalt  }
0x51: {  	_ =	shalt  }
0x52: {  	_ =	shalt  }
0x53: {  	_ =	shalt  }
0x54: {  	_ =	shalt  }
0x55: {  	_ =	shalt  }
0x56: {  	_ =	shalt  }
0x57: {  	_ =	shalt  }
0x58: {  	_ =	shalt  }
0x59: {  	_ =	shalt  }
0x5a: {  	_ =	shalt  }
0x5b: {  	_ =	shalt  }
0x5c: {  	_ =	shalt  }
0x5d: {  	_ =	shalt  }
0x5e: {  	_ =	shalt  }
0x5f: {  	_ =	shalt  }
0x60: {  	_ =	shalt  }
0x61: {  	_ =	shalt  }
0x62: {  	_ =	shalt  }
0x63: {  	_ =	shalt  }
0x64: {  	_ =	shalt  }
0x65: {  	_ =	shalt  }
0x66: {  	_ =	shalt  }
0x67: {  	_ =	shalt  }
0x68: {  	_ =	shalt  }
0x69: {  	_ =	shalt  }
0x6a: {  	_ =	shalt  }
0x6b: {  	_ =	shalt  }
0x6c: {  	_ =	shalt  }
0x6d: {  	_ =	shalt  }
0x6e: {  	_ =	shalt  }
0x6f: {  	_ =	shalt  }
0x70: {  	_ =	shalt  }
0x71: {  	_ =	shalt  }
0x72: {  	_ =	shalt  }
0x73: {  	_ =	shalt  }
0x74: {  	_ =	shalt  }
0x75: {  	_ =	shalt  }
0x76: {  	_ =	shalt  }
0x77: {  	_ =	shalt  }
0x78: {  	_ =	shalt  }
0x79: {  	_ =	shalt  }
0x7a: {  	_ =	shalt  }
0x7b: {  	_ =	shalt  }
0x7c: {  	_ =	shalt  }
0x7d: {  	_ =	shalt  }
0x7e: {  	_ =	shalt  }
0x7f: {  	_ =	shalt  }
0x80: {  	_ =	shalt  }
0x81: {  	_ =	shalt  }
0x82: {  	_ =	shalt  }
0x83: {  	_ =	shalt  }
0x84: {  	_ =	shalt  }
0x85: {  	_ =	shalt  }
0x86: {  	_ =	shalt  }
0x87: {  	_ =	shalt  }
.Lfunc_end0:
.L_simem_size_0:
called_computation_lowered:
.L_overlay_start_0:
0x88: {  	s2 =	sld [smem:$0x3FD9]  }
0x89: {  	s3 =	sld [smem:$0x3FFE];
	_ =	sdelay $0x1  }
0x8a: {  	s1 =	srdreg.scid  }
0x8b: {  	s0 =	sand.u32 $0x1, s1  }
0x8c: {  	s17 =	sshll.u32 s0, $0xA;
	s2 =	sadd.s32 s3, s2  }
0x8d: {  	s2 =	sadd.s32 s2, s17  }
0x8e: {  	[smem:$0x3FC5] =	sst s2  }
0x8f: {  	_ = 	snop  }
0x90: {  	s2 =	sld [smem:$0x3FC7];
	(tm) =	ssettm $0x1  }
0x91: {  	s18 =	sld [smem:$0x3FFB];
	_ =	sdelay $0x3  }
0x92: {  	_ =	strace s18  }
0x93: {  	s3 =	sld [smem:$0x3FFC];
	_ =	sdelay $0x3  }
0x94: {  	_ =	strace s3  }
0x95: {  	s3 =	sld [smem:$0x3FFD];
	_ =	sdelay $0x3  }
0x96: {  	_ =	strace s3  }
0x97: {  	_ =	strace $0x8FFFFFFF  }
0x98: {  	s19 =	sld [smem:$0x3FDB];
	_ =	sdelay $0x1  }
0x99: {  	s4 =	simm.s32 $_scs_section_size  }
0x9a: {  	s5 =	simm.s32 $_size__tile_overlayer_lowered;
	s6 =	simm.s32 $_tile_overlayer_lowered  }
0x9b: {  	s22 =	simm.s32 $0x1BFF;
	s21 =	sshll.u32 s6, $0x1;
	s3 =	sadd.s32 s4, s19  }
0x9c: {  	s7 =	simm.s32 $0x0;
	s20 =	sshll.u32 s5, $0x1;
	s5 =	sadd.s32 s21, s3  }
0x9d: {  	[timem:s7], [sflag:s22] =	dma.local [hbm:s5], s20  }
0x9e: {  	_ =	swait.ge [sflag:s22], s20  }
0x9f: {  	s4 =	ssub.s32 $0x0, s20;
	[sflag:s22] =	ssyncset.done $0x0  }
0xa0: {  	[sflag:s22] =	ssyncadd.s32 s4;
	_ =	sdelay $0x1  }
0xa1: {  	s23 =	simm.s32 $0x1B8B  }
0xa2: {  	_ =	swait.ge [sflag:s23], $0x1  }
0xa3: {  	[sflag:s23] =	ssyncset.done $0x0  }
0xa4: {  	s25 =	simm.s32 $0x1B8E;
	s24 =	sld [smem:$0x3FFE];
	[sflag:s23] =	ssyncadd.s32 $0xFFFFFFFF  }
0xa5: {  	s26 =	simm.s32 $execute0_lowered;
	[smem:$0x3FD2] =	sst s25  }
0xa6: {  	s5 =	sshll.u32 s26, $0x1;
	_ =	strace $0x80000046;
	[dreg:$0x1] =	wrdreg $0xFFFFFFFF  }
0xa7: {  	s28 =	simm.s32 $_size_execute0_lowered;
	s3 =	sadd.s32 s3, s5;
	[dreg:$0x0] =	wrdreg $0x0  }
0xa8: {  	s5 =	sshll.u32 s28, $0x1;
	[dreg:$0x2] =	wrdreg s3  }
0xa9: {  	[dreg:$0x3] =	wrdreg s5  }
0xaa: {  	[dreg:$0x4] =	wrdreg $0xC0  }
0xab: {  	_ =	task [dreg:s7], $0x5FFFF  }
0xac: {  	[dreg:$0x1] =	wrdreg $0xFFFFFFFF  }
0xad: {  	[dreg:$0x0] =	wrdreg $0x60  }
0xae: {  	[dreg:$0x2] =	wrdreg s24  }
0xaf: {  	[dreg:$0x3] =	wrdreg s2  }
0xb0: {  	[dreg:$0x4] =	wrdreg $0x9  }
0xb1: {  	_ =	task.clear_ibuf [dreg:s7], $0x5FFFF;
	_ =	strace $0x90000046  }
0xb2: {  	s29 =	simm.s32 $0x9;
	_ =	strace $0x80000048  }
0xb3: {  	_ =	swait.ge [sflag:s29], $0x1  }
0xb4: {  	[sflag:s29] =	ssyncadd.s32 $0xFFFFFFFF  }
0xb5: {  	_ =	strace $0x90000048  }
0xb6: {  	_ =	sfence  }
0xb7: {  	s30 =	sld [smem:$0x0];
	_ =	sdelay $0x2  }
0xb8: {  	s31 =	sshll.u32 s1, $0xD;
	s1 =	sshrl.u32 s1, $0x2  }
0xb9: {  	s3 =	sand.u32 $0x4000, s31;
	s1 =	sadd.s32 s1, s30  }
0xba: {  	s0 =	sor.u32 s3, s0;
	s1 =	sshll.u32 s1, $0x11  }
0xbb: {  	s0 =	sor.u32 s1, s0  }
0xbc: {  	s0 =	sadd.s32 $0x8F2B, s0  }
0xbd: {  	[sflag:s0] =	ssyncadd.remote.s32 $0x1  }
0xbe: {  	_ =	sfence.sel $0xFFFF  }
0xbf: {  	[dreg:$0x0] =	wrdreg $0xFFFFFFFF;
	(pc) =	sbr.abs _section_cstart, $3  }
0xc0: {  	[dreg:$0x1] =	wrdreg $0xFFFFFFFF  }
0xc1: {  	_ =	task.clear_ibuf [dreg:s7], $0x2FFFF;
	_ =	strace $0x9FFFFFFF  }
0xc2: {  	(tm) =	ssettm $0x7FFFFFFF  }
0xc3: {  	_ =	shalt  }
tec
execute0_lowered:
.L_overlay_start_1:
0x0: {  	(tag) =	ssettag $0x1  }
0x1: {  	s0 =	srdreg.scid;
	s1 =	rddreg [dreg:$0x0]  }
0x2: {  	s8 =	stileid.u32;
	s3 =	rddreg [dreg:$0x1]  }
0x3: {  	s6 =	simm.s32 $0x0;
	s17 =	simm.s32 $0x1;
	s18 =	simm.s32 $0x1500  }
0x4: {  	s19 =	simm.s32 $0x2A00;
	s20 =	simm.s32 $0x3F00;
	s21 =	simm.s32 $0x5400  }
0x5: {  	s22 =	simm.s32 $0x6900;
	s28 =	simm.s32 $0x3;
	s0 =	sand.u32 $0x1, s0  }
0x6: {  	s4 =	sshrl.u32 s8, $0x2;
	s7 =	sand.u32 $0x3, s8;
	s2 =	sshll.u32 s0, $0x2  }
0x7: {  	s29 =	simm.s32 $0x4;
	s12 =	smul.u32 $0x1500, s7;
	s5 =	sor.u32 s4, s2  }
0x8: {  	v0 =	vimm.s32 $0xFEDCBA98;
	s30 =	simm.s32 $0x5;
	s0 =	ssub.s32 $0x2, s0;
	s2 =	smul.u32 $0x2A0, s5  }
0x9: {  	v1 =	vimm.s32 $0x76543210;
	v2 =	vimm.s32 $0xBA98FEDC;
	[smem:$0x7FF] =	sst s6;
	s25 =	sshrl.u32 s0, $0x1;
	s4 =	smul.u32 $0x700, s5  }
0xa: {  	v3 =	vimm.s32 $0x32107654;
	_ =	strace $0x80000047;
	s0 =	ssub.s32 s0, s25;
	s5 =	smul.u32 $0xA80, s5  }
0xb: {  	v4 =	vimm.s32 $0xEFCDAB89;
	v5 =	vimm.s32 $0x67452301;
	vm0 =	vmmov $0x1;
	p0 =	sne.s32 s7, $0x0;
	s0 =	smax.u32 s0, $0x1;
	s24 =	sadd.s32 s2, s1  }
0xc: {  	vm1 =	vcmask $0x324;
	vm2 =	vcmask $0x724;
	v0 =	vunpack.c.l.s4.s8 v0;
	s1 =	sadd.s32 s4, s1;
	s5 =	sadd.s32 s3, s5;
	[dreg:$0xe] =	wrdreg s0  }
0xd: {  	vm3 =	vcmask $0xB24;
	vm4 =	vcmask $0xF24;
	v1 =	vunpack.c.l.s4.s8 v1;
	s2 =	smul.u32 $0x540, s7;
	s9 =	sadd.s32 $0x1600, s24;
	[dreg:$0x8] =	wrdreg s5  }
0xe: {  	vm5 =	vcmask $0x1324;
	vm6 =	vcmask $0x1724;
	v0 =	vunpack.c.0.s8.s32 v0;
	s4 =	sand.u32 $0xC, s8;
	s26 =	sadd.s32 $0x2C00, s24;
	[dreg:$0x3] =	wrdreg s9  }
0xf: {  	v2 =	vunpack.c.l.s4.s8 v2;
	v7 =	vunpack.c.0.s8.s32 v1;
	v1 =	vunpack.c.l.s4.s8 v3;
	s3 =	sshrl.u32 s12, $0x2;
	s31 =	sadd.s32 $0x4200, s24;
	[dreg:$0x4] =	wrdreg s26  }
0x10: {  	vm7 =	vcmask $0x1B24;
	v3 =	vimm.s32 $0x54761032;
	v8 =	vand.u32 $0xF, v0;
	s8 =	sor.u32 $0x3, s8;
	s10 =	sadd.s32 $0x5800, s24;
	[dreg:$0x5] =	wrdreg s31  }
0x11: {  	v0 =	vunpack.c.0.s8.s32 v2;
	v2 =	vimm.s32 $0xDCFE98BA;
	v1 =	vunpack.c.0.s8.s32 v1;
	s11 =	sadd.s32 $0x6E00, s24;
	s6 =	sadd.s32 $0x8400, s24;
	[dreg:$0x6] =	wrdreg s10  }
0x12: {  	vm8 =	vcmask $0x1F24;
	v3 =	vunpack.c.l.s4.s8 v3;
	v2 =	vunpack.c.l.s4.s8 v2;
	s13 =	sadd.s32 $0x10, s5;
	s14 =	sadd.s32 $0x20, s5;
	[dreg:$0x7] =	wrdreg s11  }
0x13: {  	s5 =	sadd.s32 $0x30, s5;
	s15 =	sor.u32 $0x1, s4;
	v9 =	vcombine.low v1, v0;
	v1 =	vunpack.c.l.s4.s8 v4;
	v4 =	vunpack.c.l.s4.s8 v5;
	[dreg:$0x9] =	wrdreg s6  }
0x14: {  	v6 =	vunpack.c.0.s8.s32 v3;
	v7 =	vcombine.low v8, v7;
	s23 =	sadd.s32 $0x6900, s3;
	s24 =	sadd.s32 $0x5400, s3;
	[dreg:$0xa] =	wrdreg s13;
	v5 =	vunpack.c.0.s8.s32 v2  }
.Ltmp0:
0x15: {  	[dreg:$0xb] =	wrdreg s14;
	s26 =	sadd.s32 $0x2A00, s3;
	v10 =	vunpack.c.0.s8.s32 v1;
	v11 =	vunpack.c.0.s8.s32 v4;
	v1 =	vmov s24;
	(pc) =	sbr.rel .LBB2_1-.Ltmp0, $4  }
0x16: {  	v8 =	vlaneseq.u32;
	s1 =	sadd.s32 $0x9A00, s1;
	[dreg:$0xc] =	wrdreg s5;
	v0 =	vmov s23;
	s31 =	sadd.s32 $0x1500, s3;
	v3 =	vmov s26  }
0x17: {  	s16 =	sor.u32 $0x2, s4;
	s25 =	sadd.s32 $0x10A00, s3;
	[dreg:$0xd] =	wrdreg s1;
	v12 =	vcombine.low v6, v5;
	v6 =	vmov s31;
	v11 =	vcombine.low v11, v10  }
0x18: {  	s10 =	sadd.s32 $0x3F00, s3;
	v2 =	vmov s25;
	s23 =	sshll.u32 s15, $0x10;
	s25 =	sshll.u32 s8, $0x10;
	v4 =	vmov s3;
	v9 =	vand.u32 $0xF, v9  }
0x19: {  	s1 =	simm.s32 $0x0;
	s24 =	sshll.u32 s16, $0x10;
	s26 =	simm.s32 $0x2;
	v5 =	vmov s10;
	v10 =	vand.u32 $0xF, v12;
	v11 =	vand.u32 $0xF, v11  }
.LBB2_10:
0x1a: {  	s0 =	simm.s32 $0x0;
	s1 =	rddreg [dreg:$0xd];
	s3 =	simm.s32 $0xD200  }
0x1b: {  	[hbm4b:s1+s0] =	stream.linear.scatter [tilespmem:s3], [sflag:$0x1], $0x3800, $0x38;
	[tilespmem:$0x11F00] =	vst v63  }
0x1c: {  	_ =	swait.ge [sflag:s17], $0x3800  }
0x1d: {  	[sflag:s17] =	ssyncset.done $0x0  }
0x1e: {  	[sflag:s17] =	ssyncadd.s32 $0xFFFFC800  }
.LBB2_11:
0x1f: {  	s1 =	rddreg [dreg:$0xf]  }
0x20: {  	s0 =	rddreg [dreg:$0xe];
	s1 =	sadd.s32 $0x1, s1  }
0x21: {  	p1 =	sne.s32 s1, s0  }
.Ltmp1:
0x22: {  	_ = 	snop;
	(pc) =	sbr.rel @!p1 .LBB2_12-.Ltmp1, $1  }
0x23: {  	_ =	sdelay $0x3  }
.LBB2_1:
0x24: {  	[dreg:$0xf] =	wrdreg s1  }
0x25: {  	s0 =	simm.s32 $0x0;
	s11 =	rddreg [dreg:$0x3]  }
0x26: {  	[tilespmem:s0], [sflag:$0x1] =	stream.linear.gather [hbm4b:s11+s0], $0x1500, $0x38;
	[tilespmem:$0x11F00] =	vst v63  }
0x27: {  	_ =	swait.ge [sflag:s17], $0x1500  }
0x28: {  	[sflag:s17] =	ssyncset.done $0x0  }
0x29: {  	s12 =	rddreg [dreg:$0x4];
	[sflag:s17] =	ssyncadd.s32 $0xFFFFEB00  }
0x2a: {  	[tilespmem:s18], [sflag:$0x1] =	stream.linear.gather [hbm4b:s12+s0], $0x1500, $0x38;
	[tilespmem:$0x11F00] =	vst v63  }
0x2b: {  	_ =	swait.ge [sflag:s17], $0x1500  }
0x2c: {  	[sflag:s17] =	ssyncset.done $0x0  }
0x2d: {  	s13 =	rddreg [dreg:$0x5];
	[sflag:s17] =	ssyncadd.s32 $0xFFFFEB00  }
0x2e: {  	[tilespmem:s19], [sflag:$0x1] =	stream.linear.gather [hbm4b:s13+s0], $0x1500, $0x38;
	[tilespmem:$0x11F00] =	vst v63  }
0x2f: {  	_ =	swait.ge [sflag:s17], $0x1500  }
0x30: {  	[sflag:s17] =	ssyncset.done $0x0  }
0x31: {  	s14 =	rddreg [dreg:$0x6];
	[sflag:s17] =	ssyncadd.s32 $0xFFFFEB00  }
0x32: {  	[tilespmem:s20], [sflag:$0x1] =	stream.linear.gather [hbm4b:s14+s0], $0x1500, $0x38;
	[tilespmem:$0x11F00] =	vst v63  }
0x33: {  	_ =	swait.ge [sflag:s17], $0x1500  }
0x34: {  	[sflag:s17] =	ssyncset.done $0x0  }
0x35: {  	s15 =	rddreg [dreg:$0x7];
	[sflag:s17] =	ssyncadd.s32 $0xFFFFEB00  }
0x36: {  	[tilespmem:s21], [sflag:$0x1] =	stream.linear.gather [hbm4b:s15+s0], $0x1500, $0x38;
	[tilespmem:$0x11F00] =	vst v63  }
0x37: {  	_ =	swait.ge [sflag:s17], $0x1500  }
0x38: {  	[sflag:s17] =	ssyncset.done $0x0  }
0x39: {  	s16 =	rddreg [dreg:$0x9];
	[sflag:s17] =	ssyncadd.s32 $0xFFFFEB00  }
0x3a: {  	[tilespmem:s22], [sflag:$0x1] =	stream.linear.gather [hbm4b:s16+s0], $0x1500, $0x38;
	[tilespmem:$0x11F00] =	vst v63  }
0x3b: {  	_ =	swait.ge [sflag:s17], $0x1500  }
0x3c: {  	s3 =	simm.s32 @!p0 $0x80;
	s7 =	simm.s32 @!p0 $0x200;
	[sflag:s17] =	ssyncset.done $0x0  }
0x3d: {  	s8 =	simm.s32 @!p0 $0x7E00;
	s0 =	rddreg [dreg:$0x8];
	[sflag:s17] =	ssyncadd.s32 $0xFFFFEB00  }
0x3e: {  	[tilespmem:s8], [sflag:$0x1] =	stream.strided.gather @!p0 [hbm4b:s0+s3], $0x1500, s7, s3, $0x38;
	[tilespmem:$0x11F00] =	vst v63  }
0x3f: {  	s8 =	simm.s32 @!p0 $0x1  }
0x40: {  	_ =	swait.ge @!p0 [sflag:s8], $0x1500  }
0x41: {  	[sflag:s8] =	ssyncset.done @!p0 $0x0  }
0x42: {  	s9 =	simm.s32 @!p0 $0x9300;
	s0 =	rddreg [dreg:$0xa];
	[sflag:s8] =	ssyncadd.s32 @!p0 $0xFFFFEB00  }
0x43: {  	[tilespmem:s9], [sflag:$0x1] =	stream.strided.gather @!p0 [hbm4b:s0+s3], $0x1500, s7, s3, $0x38;
	[tilespmem:$0x11F00] =	vst v63  }
0x44: {  	_ =	swait.ge @!p0 [sflag:s8], $0x1500  }
0x45: {  	[sflag:s8] =	ssyncset.done @!p0 $0x0  }
0x46: {  	s9 =	simm.s32 @!p0 $0xA800;
	s0 =	rddreg [dreg:$0xb];
	[sflag:s8] =	ssyncadd.s32 @!p0 $0xFFFFEB00  }
0x47: {  	[tilespmem:s9], [sflag:$0x1] =	stream.strided.gather @!p0 [hbm4b:s0+s3], $0x1500, s7, s3, $0x38;
	[tilespmem:$0x11F00] =	vst v63  }
0x48: {  	_ =	swait.ge @!p0 [sflag:s8], $0x1500  }
0x49: {  	[sflag:s8] =	ssyncset.done @!p0 $0x0  }
0x4a: {  	s9 =	simm.s32 @!p0 $0xBD00;
	s0 =	rddreg [dreg:$0xc];
	[sflag:s8] =	ssyncadd.s32 @!p0 $0xFFFFEB00  }
0x4b: {  	[tilespmem:s9], [sflag:$0x1] =	stream.strided.gather @!p0 [hbm4b:s0+s3], $0x1500, s7, s3, $0x38;
	[tilespmem:$0x11F00] =	vst v63  }
0x4c: {  	_ =	swait.ge @!p0 [sflag:s8], $0x1500  }
0x4d: {  	[sflag:s8] =	ssyncset.done @!p0 $0x0  }
0x4e: {  	s31 =	simm.s32 $0x0;
	[sflag:s8] =	ssyncadd.s32 @!p0 $0xFFFFEB00  }
0x4f: {  	v14 =	vld.idx.msk [tilespmem:v0+s31+$0x0 ss:$0x1], $0xffff;
	_ =	sdelay $0x2  }
0x50: {  	v12 =	vimm.f32 $-Inf;
	v13 =	vimm.s32 $0x0;
	s3 =	simm.s32 $0x40;
	s7 =	smov.u32 s2  }
.LBB2_2:
0x51: {  	s8 =	sshra.s32 s3, $0x2;
	p1 =	sne.s32 s3, $0x14C0;
	s3 =	sadd.s32 $0x40, s3  }
.Ltmp2:
0x52: {  	v15 =	vor.u32 s7, v8;
	vm9 =	vgt.f32 v14, v12;
	v16 =	vmov v14;
	v14 =	vld.idx.msk [tilespmem:v0+s8+$0x0 ss:$0x1], $0xffff;
	(pc) =	sbr.rel @p1 .LBB2_2-.Ltmp2, $2  }
0x53: {  	v12 =	vsel vm9, v16, v12;
	v13 =	vsel vm9, v15, v13;
	_ =	sdelay $0x2  }
0x54: {  	s7 =	sadd.s32 $0x10, s7  }
0x55: {  	v15 =	vor.u32 s7, v8;
	vm9 =	vgt.f32 v14, v12  }
0x56: {  	s7 =	simm.s32 $0x0;
	s3 =	simm.s32 $0x0;
	s8 =	simm.s32 $0x40;
	v18 =	vsel vm9, v14, v12;
	v19 =	vsel vm9, v15, v13  }
.LBB2_4:
0x57: {  	p1 =	sne.s32 s8, $0x14C0;
	v12 =	vld.idx.msk [tilespmem:v1+s3+$0x0 ss:$0x1], $0xffff;
	_ =	sdelay $0x3  }
.Ltmp3:
0x58: {  	(pc) =	sbr.rel @p1 .LBB2_4-.Ltmp3, $3  }
0x59: {  	_ = 	snop  }
0x5a: {  	v12 =	vmul.f32 $4.117647110e-01, v12;
	_ =	sdelay $0x1  }
0x5b: {  	[tilespmem:v2+s3+$0x0 ss:$0x1] =	vst.idx.msk $0xffff, v12;
	s3 =	sshra.s32 s8, $0x2;
	s8 =	sadd.s32 $0x40, s8  }
0x5c: {  	_ =	sdelay $0x3  }
0x5d: {  	v12 =	vld.idx.msk [tilespmem:v1+s3+$0x0 ss:$0x1], $0xffff;
	_ =	sdelay $0x2  }
.Ltmp4:
0x5e: {  	_ = 	snop;
	(pc) =	sbr.rel .LBB2_6-.Ltmp4, $3  }
0x5f: {  	_ = 	snop  }
0x60: {  	v12 =	vmul.f32 $4.117647110e-01, v12;
	_ =	sdelay $0x1  }
0x61: {  	[tilespmem:v2+s3+$0x0 ss:$0x1] =	vst.idx.msk $0xffff, v12  }
.LBB2_9:
0x62: {  	_ =	sdelay $0x2  }
0x63: {  	s0 =	simm.s32 $0x7E00  }
0x64: {  	v17 =	vnsel vm0, $0x0, v17;
	s13 =	simm.s32 $0x9300;
	v20 =	vld.idx.msk [tilespmem:v13+s0+$0x0], $0xffff  }
0x65: {  	s14 =	simm.s32 $0xA800;
	v21 =	vld.idx.msk [tilespmem:v13+s13+$0x0], $0xffff;
	v16 =	vsel vm1, v17, v16  }
0x66: {  	s15 =	simm.s32 $0xBD00;
	v17 =	vld.idx.msk [tilespmem:v13+s14+$0x0], $0xffff;
	v15 =	vsel vm2, v16, v15  }
0x67: {  	v62 =	vld.idx.msk [tilespmem:v13+s15+$0x0], $0xffff;
	v14 =	vsel vm3, v15, v14  }
0x68: {  	s16 =	sshll.u32 s7, $0x7;
	s7 =	sadd.s32 $0x1, s7;
	v12 =	vsel vm4, v14, v12  }
0x69: {  	v63 =	vor.u32 s16, v8;
	p1 =	seq.s32 s7, $0x64;
	v12 =	vsel vm5, v12, v20  }
.Ltmp5:
0x6a: {  	v12 =	vsel vm6, v12, v21;
	(pc) =	sbr.rel @p1 .LBB2_10-.Ltmp5, $4  }
0x6b: {  	v12 =	vsel vm7, v12, v17  }
0x6c: {  	v12 =	vsel vm8, v12, v62  }
0x6d: {  	s31 =	simm.s32 $0xD200;
	v12 =	vnsel vm9, $0x0, v12  }
0x6e: {  	[tilespmem:v63+s31+$0x0] =	vst.idx.msk $0xffff, v12  }
.LBB2_6:
0x6f: {  	v12 =	vperm.xlane v18, v7;
	_ =	sdelay $0x1  }
0x70: {  	v12 =	vmax.f32 v18, v12  }
0x71: {  	v13 =	vperm.xlane v12, v9;
	_ =	sdelay $0x1  }
0x72: {  	v12 =	vmax.f32 v12, v13  }
0x73: {  	v13 =	vperm.xlane v12, v10;
	_ =	sdelay $0x1  }
0x74: {  	v12 =	vmax.f32 v12, v13  }
0x75: {  	v13 =	vperm.xlane v12, v11;
	_ =	sdelay $0x1  }
0x76: {  	v12 =	vmax.f32 v12, v13  }
0x77: {  	vm9 =	veq.f32 v18, v12  }
0x78: {  	v13 =	vnsel vm9, $0x7FFFFFFF, v19  }
0x79: {  	v14 =	vperm.xlane v13, v7;
	_ =	sdelay $0x1  }
0x7a: {  	vm9 =	vlt.s32 v13, v14  }
0x7b: {  	v13 =	vsel vm9, v13, v14  }
0x7c: {  	v14 =	vperm.xlane v13, v9;
	_ =	sdelay $0x1  }
0x7d: {  	vm9 =	vlt.s32 v13, v14  }
0x7e: {  	v13 =	vsel vm9, v13, v14  }
0x7f: {  	v14 =	vperm.xlane v13, v10;
	_ =	sdelay $0x1  }
0x80: {  	vm9 =	vlt.s32 v13, v14  }
0x81: {  	v13 =	vsel vm9, v13, v14  }
0x82: {  	v14 =	vperm.xlane v13, v11;
	_ =	sdelay $0x1  }
0x83: {  	vm9 =	vlt.s32 v13, v14  }
0x84: {  	(v2sf) =	vpush v12, $0x0;
	v13 =	vsel vm9, v13, v14  }
0x85: {  	(v2sf) =	vpush v13, $0x0;
	_ =	sdelay $0xc  }
0x86: {  	s3 =	sshll.u32 s7, $0x1  }
0x87: {  	s3 =	sand.u32 $0x2, s3;
	s8 =	spop (v2sf)  }
0x88: {  	[smem:s3] =	sst s8;
	s9 =	spop (v2sf)  }
0x89: {  	[smem:s3+$0x1] =	sst s9  }
0x8a: {  	s5 =	sshll.u32 s4, $0x10;
	[bflag:$0x0] =	sbarrier.arrive $0xFFFF  }
0x8b: {  	s8 =	sor.u32 s5, s3;
	[sflag:s17] =	ssyncset.done $0x0  }
0x8c: {  	[smem:s8], [sflag:$0x1] =	smem.add.s32 $0x0  }
0x8d: {  	_ =	swait.done [sflag:s17]  }
0x8e: {  	s6 =	ssyncread [sflag:$0x1]  }
0x8f: {  	[sflag:s17] =	ssyncset.s32 $0x0  }
0x90: {  	[sflag:s17] =	ssyncset.done $0x0  }
0x91: {  	s11 =	sor.u32 s23, s3;
	[sflag:s26] =	ssyncset.done $0x0  }
0x92: {  	[smem:s11], [sflag:$0x2] =	smem.add.s32 $0x0  }
0x93: {  	_ =	swait.done [sflag:s26]  }
0x94: {  	s12 =	ssyncread [sflag:$0x2]  }
0x95: {  	[sflag:s26] =	ssyncset.s32 $0x0  }
0x96: {  	[sflag:s26] =	ssyncset.done $0x0  }
0x97: {  	s10 =	sor.u32 s24, s3;
	[sflag:s28] =	ssyncset.done $0x0  }
0x98: {  	[smem:s10], [sflag:$0x3] =	smem.add.s32 $0x0  }
0x99: {  	_ =	swait.done [sflag:s28]  }
0x9a: {  	s13 =	ssyncread [sflag:$0x3]  }
0x9b: {  	[sflag:s28] =	ssyncset.s32 $0x0  }
0x9c: {  	[sflag:s28] =	ssyncset.done $0x0  }
0x9d: {  	s11 =	sor.u32 s25, s3;
	[sflag:s29] =	ssyncset.done $0x0  }
0x9e: {  	[smem:s11], [sflag:$0x4] =	smem.add.s32 $0x0  }
0x9f: {  	_ =	swait.done [sflag:s29]  }
0xa0: {  	vm9 =	veq.s32 v8, $0x1;
	v12 =	vmov s6;
	s14 =	ssyncread [sflag:$0x4]  }
0xa1: {  	v12 =	vsel vm9, s12, v12;
	vm9 =	veq.s32 v8, $0x2  }
0xa2: {  	v12 =	vsel vm9, s13, v12;
	vm9 =	veq.s32 v8, $0x3  }
0xa3: {  	v13 =	vsel vm9, s14, v12  }
0xa4: {  	v12 =	vperm.xlane v13, v7;
	_ =	sdelay $0x1  }
0xa5: {  	v12 =	vmax.f32 v13, v12  }
0xa6: {  	v14 =	vperm.xlane v12, v9;
	_ =	sdelay $0x1  }
0xa7: {  	v12 =	vmax.f32 v12, v14  }
0xa8: {  	v14 =	vperm.xlane v12, v10;
	_ =	sdelay $0x1  }
0xa9: {  	v12 =	vmax.f32 v12, v14  }
0xaa: {  	v14 =	vperm.xlane v12, v11;
	_ =	sdelay $0x1  }
0xab: {  	v12 =	vmax.f32 v12, v14  }
0xac: {  	vm9 =	veq.f32 v12, v13  }
0xad: {  	v13 =	vnsel vm9, $0x7FFFFFFF, v8  }
0xae: {  	v14 =	vperm.xlane v13, v7;
	_ =	sdelay $0x1  }
0xaf: {  	vm9 =	vlt.s32 v13, v14  }
0xb0: {  	v13 =	vsel vm9, v13, v14  }
0xb1: {  	v14 =	vperm.xlane v13, v9;
	_ =	sdelay $0x1  }
0xb2: {  	vm9 =	vlt.s32 v13, v14  }
0xb3: {  	v13 =	vsel vm9, v13, v14  }
0xb4: {  	v14 =	vperm.xlane v13, v10;
	_ =	sdelay $0x1  }
0xb5: {  	vm9 =	vlt.s32 v13, v14  }
0xb6: {  	v13 =	vsel vm9, v13, v14  }
0xb7: {  	v14 =	vperm.xlane v13, v11;
	_ =	sdelay $0x1  }
0xb8: {  	vm9 =	vlt.s32 v13, v14  }
0xb9: {  	v13 =	vsel vm9, v13, v14  }
0xba: {  	(v2sf) =	vpush v13, $0x0;
	_ =	sdelay $0xe  }
0xbb: {  	s15 =	spop (v2sf)  }
0xbc: {  	[sflag:s29] =	ssyncset.s32 $0x0;
	s8 =	sadd.s32 s4, s15  }
0xbd: {  	s3 =	sor.u32 $0x1, s3;
	[sflag:s29] =	ssyncset.done $0x0;
	s8 =	sshll.u32 s8, $0x10  }
0xbe: {  	[sflag:s30] =	ssyncset.done $0x0;
	s3 =	sor.u32 s8, s3  }
0xbf: {  	[smem:s3], [sflag:$0x5] =	smem.add.s32 $0x0  }
0xc0: {  	_ =	swait.done [sflag:s30]  }
0xc1: {  	s16 =	ssyncread [sflag:$0x5];
	_ =	sdelay $0x2  }
0xc2: {  	v13 =	vmov s16;
	_ =	sdelay $0x2  }
0xc3: {  	[sflag:s30] =	ssyncset.s32 $0x0  }
0xc4: {  	s31 =	simm.s32 $0x0;
	[sflag:s30] =	ssyncset.done $0x0  }
0xc5: {  	v17 =	vld.idx.msk [tilespmem:v13+s31+$0x0], $0xffff  }
0xc6: {  	v16 =	vld.idx.msk [tilespmem:v13+s18+$0x0], $0xffff  }
0xc7: {  	v15 =	vld.idx.msk [tilespmem:v13+s19+$0x0], $0xffff  }
0xc8: {  	v23 =	vimm.f32 $-Inf;
	v14 =	vld.idx.msk [tilespmem:v13+s20+$0x0], $0xffff  }
0xc9: {  	s8 =	simm.s32 $0x0;
	v21 =	vld.idx.msk [tilespmem:v13+s21+$0x0], $0xffff;
	[tilespmem:v13+s22+$0x0] =	vst.idx.msk $0xffff, v23  }
0xca: {  	v24 =	vld.idx.msk [tilespmem:v6+s8+$0x0 ss:$0x1], $0xffff  }
0xcb: {  	v25 =	vld.idx.msk [tilespmem:v5+s8+$0x0 ss:$0x1], $0xffff  }
0xcc: {  	v26 =	vld.idx.msk [tilespmem:v4+s8+$0x0 ss:$0x1], $0xffff  }
0xcd: {  	v27 =	vld.idx.msk [tilespmem:v3+s8+$0x0 ss:$0x1], $0xffff  }
0xce: {  	vm10 =	vgt.f32 v12, $-Inf;
	vm9 =	vlt.f32 v12, $-Inf  }
0xcf: {  	vm9 =	vmor vm10, vm9  }
0xd0: {  	v18 =	vnsel vm9, $0x7149F2CA, v17;
	v19 =	vnsel vm9, $0x7149F2CA, v16  }
0xd1: {  	v28 =	vld.idx.msk [tilespmem:v2+s8+$0x0 ss:$0x1], $0xffff;
	v22 =	vnsel vm9, $0xF149F2CA, v15;
	v20 =	vnsel vm9, $0xF149F2CA, v14;
	v24 =	vmax.f32 v19, v24  }
0xd2: {  	v25 =	vmin.f32 v20, v25;
	v26 =	vmax.f32 v18, v26;
	v27 =	vmin.f32 v22, v27  }
0xd3: {  	v21 =	vmul.f32 $4.117647110e-01, v21;
	v24 =	vsub.f32 v25, v24;
	v25 =	vsub.f32 v27, v26  }
0xd4: {  	v26 =	vld.idx.msk [tilespmem:v0+s8+$0x0 ss:$0x1], $0xffff  }
0xd5: {  	v21 =	vnsel vm9, $0x0, v21;
	v24 =	vmax.f32 v24, $0.0e+00;
	v25 =	vmax.f32 v25, $0.0e+00  }
0xd6: {  	v24 =	vmul.f32 v24, v25;
	v25 =	vadd.f32 v28, v21;
	_ =	sdelay $0x1  }
0xd7: {  	vm10 =	vgt.f32 v24, v25  }
0xd8: {  	v24 =	vsel vm10, $0xFF800000, v26  }
0xd9: {  	[tilespmem:v0+s8+$0x0 ss:$0x1] =	vst.idx.msk $0xffff, v24  }
0xda: {  	v25 =	vld.idx.msk [tilespmem:v3+s8+$0x10 ss:$0x1], $0xffff  }
0xdb: {  	v26 =	vld.idx.msk [tilespmem:v4+s8+$0x10 ss:$0x1], $0xffff  }
0xdc: {  	v27 =	vld.idx.msk [tilespmem:v5+s8+$0x10 ss:$0x1], $0xffff  }
0xdd: {  	v49 =	vld.idx.msk [tilespmem:v6+s8+$0x10 ss:$0x1], $0xffff;
	_ =	sdelay $0x3  }
0xde: {  	v29 =	vld.idx.msk [tilespmem:v2+s8+$0x10 ss:$0x1], $0xffff;
	v25 =	vmin.f32 v22, v25  }
0xdf: {  	v26 =	vmax.f32 v18, v26;
	v27 =	vmin.f32 v20, v27;
	v28 =	vmax.f32 v19, v49  }
0xe0: {  	v25 =	vsub.f32 v25, v26;
	v26 =	vsub.f32 v27, v28  }
0xe1: {  	v27 =	vld.idx.msk [tilespmem:v0+s8+$0x10 ss:$0x1], $0xffff  }
0xe2: {  	v25 =	vmax.f32 v25, $0.0e+00;
	v26 =	vmax.f32 v26, $0.0e+00  }
0xe3: {  	v25 =	vmul.f32 v26, v25;
	v26 =	vadd.f32 v29, v21;
	_ =	sdelay $0x1  }
0xe4: {  	vm10 =	vgt.f32 v25, v26  }
0xe5: {  	v25 =	vsel vm10, $0xFF800000, v27  }
0xe6: {  	[tilespmem:v0+s8+$0x10 ss:$0x1] =	vst.idx.msk $0xffff, v25  }
0xe7: {  	v26 =	vld.idx.msk [tilespmem:v5+s8+$0x20 ss:$0x1], $0xffff  }
0xe8: {  	v27 =	vld.idx.msk [tilespmem:v4+s8+$0x20 ss:$0x1], $0xffff  }
0xe9: {  	v50 =	vld.idx.msk [tilespmem:v3+s8+$0x20 ss:$0x1], $0xffff  }
0xea: {  	v51 =	vld.idx.msk [tilespmem:v6+s8+$0x20 ss:$0x1], $0xffff;
	_ =	sdelay $0x3  }
0xeb: {  	v30 =	vld.idx.msk [tilespmem:v2+s8+$0x20 ss:$0x1], $0xffff;
	v27 =	vmax.f32 v18, v27  }
0xec: {  	v28 =	vmin.f32 v22, v50;
	v26 =	vmin.f32 v20, v26;
	v29 =	vmax.f32 v19, v51  }
0xed: {  	v27 =	vsub.f32 v28, v27;
	v26 =	vsub.f32 v26, v29  }
0xee: {  	v52 =	vld.idx.msk [tilespmem:v0+s8+$0x20 ss:$0x1], $0xffff  }
0xef: {  	v27 =	vmax.f32 v27, $0.0e+00;
	v26 =	vmax.f32 v26, $0.0e+00  }
0xf0: {  	v26 =	vmul.f32 v26, v27;
	v27 =	vadd.f32 v30, v21;
	_ =	sdelay $0x1  }
0xf1: {  	vm10 =	vgt.f32 v26, v27  }
0xf2: {  	v26 =	vsel vm10, $0xFF800000, v52  }
0xf3: {  	[tilespmem:v0+s8+$0x20 ss:$0x1] =	vst.idx.msk $0xffff, v26  }
0xf4: {  	v27 =	vld.idx.msk [tilespmem:v4+s8+$0x30 ss:$0x1], $0xffff  }
0xf5: {  	v53 =	vld.idx.msk [tilespmem:v6+s8+$0x30 ss:$0x1], $0xffff  }
0xf6: {  	v54 =	vld.idx.msk [tilespmem:v3+s8+$0x30 ss:$0x1], $0xffff  }
0xf7: {  	v55 =	vld.idx.msk [tilespmem:v5+s8+$0x30 ss:$0x1], $0xffff;
	_ =	sdelay $0x3  }
0xf8: {  	v31 =	vld.idx.msk [tilespmem:v2+s8+$0x30 ss:$0x1], $0xffff;
	v27 =	vmax.f32 v18, v27  }
0xf9: {  	v29 =	vmin.f32 v22, v54;
	v28 =	vmax.f32 v19, v53;
	v30 =	vmin.f32 v20, v55  }
0xfa: {  	v27 =	vsub.f32 v29, v27;
	v28 =	vsub.f32 v30, v28  }
0xfb: {  	v56 =	vld.idx.msk [tilespmem:v0+s8+$0x30 ss:$0x1], $0xffff  }
0xfc: {  	v27 =	vmax.f32 v27, $0.0e+00;
	v28 =	vmax.f32 v28, $0.0e+00  }
0xfd: {  	v57 =	vadd.f32 v31, v21;
	v27 =	vmul.f32 v28, v27;
	_ =	sdelay $0x1  }
0xfe: {  	vm10 =	vgt.f32 v27, v57  }
0xff: {  	v27 =	vsel vm10, $0xFF800000, v56  }
0x100: {  	[tilespmem:v0+s8+$0x30 ss:$0x1] =	vst.idx.msk $0xffff, v27  }
0x101: {  	v58 =	vld.idx.msk [tilespmem:v4+s8+$0x40 ss:$0x1], $0xffff  }
0x102: {  	v59 =	vld.idx.msk [tilespmem:v3+s8+$0x40 ss:$0x1], $0xffff  }
0x103: {  	v60 =	vld.idx.msk [tilespmem:v5+s8+$0x40 ss:$0x1], $0xffff  }
0x104: {  	v61 =	vld.idx.msk [tilespmem:v6+s8+$0x40 ss:$0x1], $0xffff;
	_ =	sdelay $0x3  }
0x105: {  	vm10 =	vgt.f32 v24, v23;
	v32 =	vld.idx.msk [tilespmem:v2+s8+$0x40 ss:$0x1], $0xffff;
	v29 =	vmin.f32 v22, v59  }
0x106: {  	v28 =	vmax.f32 v18, v58;
	v30 =	vmin.f32 v20, v60;
	v31 =	vmax.f32 v19, v61  }
0x107: {  	v23 =	vsel vm10, v24, v23;
	v24 =	vsub.f32 v29, v28;
	v62 =	vsub.f32 v30, v31  }
0x108: {  	vm11 =	vgt.f32 v25, v23;
	v63 =	vld.idx.msk [tilespmem:v0+s8+$0x40 ss:$0x1], $0xffff  }
0x109: {  	v23 =	vsel vm11, v25, v23;
	v24 =	vmax.f32 v24, $0.0e+00;
	v25 =	vmax.f32 v62, $0.0e+00  }
0x10a: {  	vm12 =	vgt.f32 v26, v23;
	v24 =	vmul.f32 v25, v24;
	v25 =	vadd.f32 v32, v21  }
0x10b: {  	v23 =	vsel vm12, v26, v23  }
0x10c: {  	s9 =	sadd.s32 $0x50, s2;
	s12 =	sadd.s32 $0x30, s2;
	vm13 =	vgt.f32 v27, v23;
	vm14 =	vgt.f32 v24, v25  }
0x10d: {  	s10 =	smov.u32 s2;
	s11 =	sadd.s32 $0x20, s2;
	s13 =	sadd.s32 $0x40, s2;
	v24 =	vsel vm13, v27, v23;
	v25 =	vsel vm14, $0xFF800000, v63  }
0x10e: {  	s14 =	sadd.s32 $0x10, s2;
	s3 =	smov.u32 s2;
	s16 =	simm.s32 $0x180;
	v23 =	vimm.s32 $0x0;
	[tilespmem:v0+s8+$0x40 ss:$0x1] =	vst.idx.msk $0xffff, v25;
	vm14 =	vgt.f32 v25, v24  }
.LBB2_7:
0x10f: {  	p1 =	sne.s32 s16, $0x1380  }
0x110: {  	v26 =	vld.idx.msk [tilespmem:v3+s8+$0x50 ss:$0x1], $0xffff;
	s10 =	sadd.s32 $0x60, s10;
	s31 =	smov.u32 s16;
	s16 =	sadd.s32 $0x180, s16  }
0x111: {  	s1 =	sadd.s32 $0x10, s10;
	s0 =	sadd.s32 $0x20, s10;
	s15 =	sadd.s32 $0x30, s10;
	v27 =	vld.idx.msk [tilespmem:v6+s8+$0x50 ss:$0x1], $0xffff  }
0x112: {  	s5 =	sadd.s32 $0x40, s10;
	s6 =	sadd.s32 $0x50, s10;
	v28 =	vld.idx.msk [tilespmem:v4+s8+$0x50 ss:$0x1], $0xffff  }
0x113: {  	v29 =	vld.idx.msk [tilespmem:v5+s8+$0x50 ss:$0x1], $0xffff;
	_ =	sdelay $0x2  }
0x114: {  	v30 =	vld.idx.msk [tilespmem:v2+s8+$0x50 ss:$0x1], $0xffff  }
0x115: {  	v26 =	vmin.f32 v22, v26;
	v27 =	vmax.f32 v19, v27  }
0x116: {  	v28 =	vmax.f32 v18, v28  }
0x117: {  	v26 =	vsub.f32 v26, v28;
	v28 =	vmin.f32 v20, v29;
	v29 =	vld.idx.msk [tilespmem:v0+s8+$0x50 ss:$0x1], $0xffff  }
0x118: {  	v27 =	vsub.f32 v28, v27  }
0x119: {  	v31 =	vor.u32 s14, v8;
	s14 =	smov.u32 s1;
	v28 =	vor.u32 s3, v8;
	s3 =	smov.u32 s10;
	v26 =	vmax.f32 v26, $0.0e+00  }
0x11a: {  	v23 =	vsel vm10, v28, v23;
	v27 =	vmax.f32 v27, $0.0e+00;
	v28 =	vadd.f32 v30, v21  }
0x11b: {  	v23 =	vsel vm11, v31, v23;
	v30 =	vor.u32 s11, v8;
	s11 =	smov.u32 s0;
	v26 =	vmul.f32 v27, v26  }
0x11c: {  	v23 =	vsel vm12, v30, v23;
	v27 =	vor.u32 s12, v8;
	v30 =	vor.u32 s13, v8;
	s12 =	smov.u32 s15;
	s13 =	smov.u32 s5  }
0x11d: {  	v24 =	vsel vm14, v25, v24;
	v23 =	vsel vm13, v27, v23;
	vm10 =	vgt.f32 v26, v28  }
0x11e: {  	v23 =	vsel vm14, v30, v23;
	v26 =	vor.u32 s9, v8;
	s9 =	smov.u32 s6;
	v25 =	vsel vm10, $0xFF800000, v29  }
0x11f: {  	vm10 =	vgt.f32 v25, v24;
	[tilespmem:v0+s8+$0x50 ss:$0x1] =	vst.idx.msk $0xffff, v25;
	s8 =	sshra.s32 s31, $0x2  }
0x120: {  	v24 =	vsel vm10, v25, v24;
	v23 =	vsel vm10, v26, v23;
	v27 =	vld.idx.msk [tilespmem:v6+s8+$0x0 ss:$0x1], $0xffff  }
0x121: {  	v25 =	vld.idx.msk [tilespmem:v5+s8+$0x0 ss:$0x1], $0xffff  }
0x122: {  	v26 =	vld.idx.msk [tilespmem:v4+s8+$0x0 ss:$0x1], $0xffff  }
0x123: {  	v28 =	vld.idx.msk [tilespmem:v3+s8+$0x0 ss:$0x1], $0xffff;
	_ =	sdelay $0x2  }
0x124: {  	v27 =	vmax.f32 v19, v27  }
0x125: {  	v25 =	vmin.f32 v20, v25;
	v29 =	vld.idx.msk [tilespmem:v2+s8+$0x0 ss:$0x1], $0xffff  }
0x126: {  	v26 =	vmax.f32 v18, v26;
	v25 =	vsub.f32 v25, v27  }
0x127: {  	v27 =	vmin.f32 v22, v28  }
0x128: {  	v26 =	vsub.f32 v27, v26;
	v25 =	vmax.f32 v25, $0.0e+00;
	v27 =	vld.idx.msk [tilespmem:v0+s8+$0x0 ss:$0x1], $0xffff;
	_ =	sdelay $0x1  }
0x129: {  	v26 =	vmax.f32 v26, $0.0e+00  }
0x12a: {  	v25 =	vmul.f32 v25, v26;
	v26 =	vadd.f32 v29, v21;
	_ =	sdelay $0x1  }
0x12b: {  	vm10 =	vgt.f32 v25, v26  }
0x12c: {  	v25 =	vsel vm10, $0xFF800000, v27  }
0x12d: {  	vm10 =	vgt.f32 v25, v24;
	[tilespmem:v0+s8+$0x0 ss:$0x1] =	vst.idx.msk $0xffff, v25  }
0x12e: {  	v26 =	vld.idx.msk [tilespmem:v3+s8+$0x10 ss:$0x1], $0xffff  }
0x12f: {  	v27 =	vld.idx.msk [tilespmem:v4+s8+$0x10 ss:$0x1], $0xffff  }
0x130: {  	v28 =	vld.idx.msk [tilespmem:v5+s8+$0x10 ss:$0x1], $0xffff  }
0x131: {  	v29 =	vld.idx.msk [tilespmem:v6+s8+$0x10 ss:$0x1], $0xffff;
	_ =	sdelay $0x2  }
0x132: {  	v26 =	vmin.f32 v22, v26  }
0x133: {  	v27 =	vmax.f32 v18, v27;
	v30 =	vld.idx.msk [tilespmem:v2+s8+$0x10 ss:$0x1], $0xffff  }
0x134: {  	v26 =	vsub.f32 v26, v27  }
0x135: {  	v27 =	vmin.f32 v20, v28;
	v28 =	vmax.f32 v19, v29  }
0x136: {  	v27 =	vsub.f32 v27, v28;
	v28 =	vld.idx.msk [tilespmem:v0+s8+$0x10 ss:$0x1], $0xffff;
	_ =	sdelay $0x1  }
0x137: {  	v26 =	vmax.f32 v26, $0.0e+00;
	v27 =	vmax.f32 v27, $0.0e+00  }
0x138: {  	v26 =	vmul.f32 v27, v26;
	v27 =	vadd.f32 v30, v21;
	_ =	sdelay $0x1  }
0x139: {  	vm11 =	vgt.f32 v26, v27  }
0x13a: {  	v24 =	vsel vm10, v25, v24;
	v25 =	vsel vm11, $0xFF800000, v28  }
0x13b: {  	vm11 =	vgt.f32 v25, v24;
	[tilespmem:v0+s8+$0x10 ss:$0x1] =	vst.idx.msk $0xffff, v25  }
0x13c: {  	v26 =	vld.idx.msk [tilespmem:v5+s8+$0x20 ss:$0x1], $0xffff  }
0x13d: {  	v27 =	vld.idx.msk [tilespmem:v4+s8+$0x20 ss:$0x1], $0xffff  }
0x13e: {  	v28 =	vld.idx.msk [tilespmem:v3+s8+$0x20 ss:$0x1], $0xffff  }
0x13f: {  	v29 =	vld.idx.msk [tilespmem:v6+s8+$0x20 ss:$0x1], $0xffff;
	_ =	sdelay $0x3  }
0x140: {  	v27 =	vmax.f32 v18, v27;
	v30 =	vld.idx.msk [tilespmem:v2+s8+$0x20 ss:$0x1], $0xffff  }
0x141: {  	v26 =	vmin.f32 v20, v26;
	v28 =	vmin.f32 v22, v28  }
0x142: {  	v27 =	vsub.f32 v28, v27;
	v28 =	vmax.f32 v19, v29  }
0x143: {  	v26 =	vsub.f32 v26, v28;
	v28 =	vld.idx.msk [tilespmem:v0+s8+$0x20 ss:$0x1], $0xffff;
	_ =	sdelay $0x1  }
0x144: {  	v27 =	vmax.f32 v27, $0.0e+00;
	v26 =	vmax.f32 v26, $0.0e+00  }
0x145: {  	v26 =	vmul.f32 v26, v27;
	v27 =	vadd.f32 v30, v21;
	_ =	sdelay $0x1  }
0x146: {  	vm12 =	vgt.f32 v26, v27  }
0x147: {  	v24 =	vsel vm11, v25, v24;
	v25 =	vsel vm12, $0xFF800000, v28  }
0x148: {  	vm12 =	vgt.f32 v25, v24;
	[tilespmem:v0+s8+$0x20 ss:$0x1] =	vst.idx.msk $0xffff, v25  }
0x149: {  	v24 =	vsel vm12, v25, v24;
	v25 =	vld.idx.msk [tilespmem:v4+s8+$0x30 ss:$0x1], $0xffff  }
0x14a: {  	v26 =	vld.idx.msk [tilespmem:v6+s8+$0x30 ss:$0x1], $0xffff  }
0x14b: {  	v27 =	vld.idx.msk [tilespmem:v3+s8+$0x30 ss:$0x1], $0xffff  }
0x14c: {  	v28 =	vld.idx.msk [tilespmem:v5+s8+$0x30 ss:$0x1], $0xffff  }
0x14d: {  	v29 =	vld.idx.msk [tilespmem:v2+s8+$0x30 ss:$0x1], $0xffff;
	_ =	sdelay $0x2  }
0x14e: {  	v25 =	vmax.f32 v18, v25  }
0x14f: {  	v26 =	vmax.f32 v19, v26;
	v27 =	vmin.f32 v22, v27  }
0x150: {  	v25 =	vsub.f32 v27, v25;
	v27 =	vmin.f32 v20, v28  }
0x151: {  	v26 =	vsub.f32 v27, v26;
	v27 =	vld.idx.msk [tilespmem:v0+s8+$0x30 ss:$0x1], $0xffff;
	_ =	sdelay $0x1  }
0x152: {  	v25 =	vmax.f32 v25, $0.0e+00;
	v26 =	vmax.f32 v26, $0.0e+00  }
0x153: {  	v25 =	vmul.f32 v26, v25;
	v26 =	vadd.f32 v29, v21;
	_ =	sdelay $0x1  }
0x154: {  	vm13 =	vgt.f32 v25, v26  }
0x155: {  	v25 =	vsel vm13, $0xFF800000, v27  }
0x156: {  	vm13 =	vgt.f32 v25, v24;
	[tilespmem:v0+s8+$0x30 ss:$0x1] =	vst.idx.msk $0xffff, v25  }
0x157: {  	v24 =	vsel vm13, v25, v24;
	v25 =	vld.idx.msk [tilespmem:v4+s8+$0x40 ss:$0x1], $0xffff  }
0x158: {  	v26 =	vld.idx.msk [tilespmem:v3+s8+$0x40 ss:$0x1], $0xffff  }
0x159: {  	v27 =	vld.idx.msk [tilespmem:v5+s8+$0x40 ss:$0x1], $0xffff  }
0x15a: {  	v28 =	vld.idx.msk [tilespmem:v6+s8+$0x40 ss:$0x1], $0xffff  }
0x15b: {  	v29 =	vld.idx.msk [tilespmem:v2+s8+$0x40 ss:$0x1], $0xffff  }
0x15c: {  	v30 =	vld.idx.msk [tilespmem:v0+s8+$0x40 ss:$0x1], $0xffff;
	_ =	sdelay $0x1  }
0x15d: {  	v25 =	vmax.f32 v18, v25;
	v26 =	vmin.f32 v22, v26  }
0x15e: {  	v25 =	vsub.f32 v26, v25;
	v26 =	vmin.f32 v20, v27  }
0x15f: {  	v27 =	vmax.f32 v19, v28  }
0x160: {  	v26 =	vsub.f32 v26, v27  }
0x161: {  	v25 =	vmax.f32 v25, $0.0e+00  }
0x162: {  	v26 =	vmax.f32 v26, $0.0e+00  }
.Ltmp6:
0x163: {  	v25 =	vmul.f32 v26, v25;
	v26 =	vadd.f32 v29, v21;
	(pc) =	sbr.rel @p1 .LBB2_7-.Ltmp6, $4  }
0x164: {  	_ = 	snop  }
0x165: {  	vm14 =	vgt.f32 v25, v26  }
0x166: {  	v25 =	vsel vm14, $0xFF800000, v30  }
0x167: {  	vm14 =	vgt.f32 v25, v24;
	[tilespmem:v0+s8+$0x40 ss:$0x1] =	vst.idx.msk $0xffff, v25  }
0x168: {  	_ =	sdelay $0x3  }
0x169: {  	v26 =	vld.idx.msk [tilespmem:v3+s8+$0x50 ss:$0x1], $0xffff  }
0x16a: {  	v27 =	vld.idx.msk [tilespmem:v6+s8+$0x50 ss:$0x1], $0xffff  }
0x16b: {  	v28 =	vld.idx.msk [tilespmem:v4+s8+$0x50 ss:$0x1], $0xffff  }
0x16c: {  	v29 =	vld.idx.msk [tilespmem:v5+s8+$0x50 ss:$0x1], $0xffff;
	_ =	sdelay $0x3  }
0x16d: {  	v30 =	vld.idx.msk [tilespmem:v2+s8+$0x50 ss:$0x1], $0xffff;
	v22 =	vmin.f32 v22, v26  }
0x16e: {  	v18 =	vmax.f32 v18, v28;
	v19 =	vmax.f32 v19, v27;
	v20 =	vmin.f32 v20, v29  }
0x16f: {  	v18 =	vsub.f32 v22, v18;
	v19 =	vsub.f32 v20, v19  }
0x170: {  	v57 =	vor.u32 s3, v8;
	v20 =	vld.idx.msk [tilespmem:v0+s8+$0x50 ss:$0x1], $0xffff  }
0x171: {  	v58 =	vor.u32 s14, v8;
	v18 =	vmax.f32 v18, $0.0e+00;
	v19 =	vmax.f32 v19, $0.0e+00  }
0x172: {  	v21 =	vadd.f32 v30, v21;
	v22 =	vsel vm10, v57, v23;
	v18 =	vmul.f32 v19, v18  }
.Ltmp7:
0x173: {  	v59 =	vor.u32 s11, v8;
	v60 =	vor.u32 s12, v8;
	v22 =	vsel vm11, v58, v22;
	(pc) =	sbr.rel @!p0 .LBB2_9-.Ltmp7, $4  }
0x174: {  	v61 =	vor.u32 s13, v8;
	v19 =	vsel vm12, v59, v22;
	vm10 =	vgt.f32 v18, v21  }
0x175: {  	v18 =	vsel vm13, v60, v19;
	v19 =	vsel vm14, v25, v24;
	v20 =	vsel vm10, $0xFF800000, v20  }
0x176: {  	v63 =	vor.u32 s9, v8;
	v62 =	vsel vm14, v61, v18;
	vm10 =	vgt.f32 v20, v19  }
0x177: {  	[tilespmem:v0+s8+$0x50 ss:$0x1] =	vst.idx.msk $0xffff, v20;
	v18 =	vsel vm10, v20, v19;
	v19 =	vsel vm10, v63, v62  }
0x178: {  	s7 =	sadd.s32 $0x1, s7  }
0x179: {  	p1 =	seq.s32 s7, $0x64  }
.Ltmp8:
0x17a: {  	_ = 	snop;
	(pc) =	sbr.rel @!p1 .LBB2_6-.Ltmp8, $4  }
.Ltmp9:
0x17b: {  	_ = 	snop;
	(pc) =	sbr.rel @p1 .LBB2_11-.Ltmp9, $4  }
0x17c: {  	_ = 	snop  }
0x17d: {  	_ = 	snop  }
0x17e: {  	_ = 	snop  }
0x17f: {  	_ = 	snop  }
.LBB2_12:
0x180: {  	_ =	sfence.sel $0x180000  }
0x181: {  	[bflag:$0x0] =	sbarrier.arrive $0xFFFF  }
0x182: {  	_ =	strace $0x90000047  }
0x183: {  	s0 =	stileid.u32;
	[bflag:$0x2] =	sbarrier.arrive $0xFFFF  }
0x184: {  	p0 =	sne.s32 s0, $0x0;
	s0 =	rddreg [dreg:$0x2]  }
0x185: {  	s0 =	sadd.s32 @!p0 $0x100000, s0  }
0x186: {  	[sflag:s0] =	ssyncadd.tile.s32 @!p0 $0x1;
	_ =	shalt  }
.Lfunc_end2:
_tile_overlayer_lowered:
.L_overlay_start_2:
0x187: {  	(tag) =	ssettag $0x2  }
0x188: {  	s0 =	rddreg [dreg:$0x0];
	s2 =	stileid.u32  }
0x189: {  	s1 =	rddreg [dreg:$0x1];
	p0 =	sne.s32 s2, $0x0  }
0x18a: {  	s3 =	rddreg [dreg:$0x2];
	[bflag:$0x3] =	sbarrier.arrive $0xFFFF;
	s2 =	simm.s32 @!p0 $0x1C01  }
0x18b: {  	[timem:s3], [sflag:s2] =	dma.local @!p0 [hbm:s0], s1  }
0x18c: {  	s0 =	simm.s32 @!p0 $0x1  }
0x18d: {  	_ =	swait.ge @!p0 [sflag:s0], s1  }
0x18e: {  	s1 =	ssub.s32 @!p0 $0x0, s1;
	[sflag:s0] =	ssyncset.done @!p0 $0x0  }
0x18f: {  	[sflag:s0] =	ssyncadd.s32 @!p0 s1  }
0x190: {  	[bflag:$0x3] =	sbarrier.arrive $0xFFFF  }
0x191: {  	_ =	shalt  }

</sc_bundles>
